<compile_context>
chip_gen: v7x
topology: tpu7x:2x2x1
jax: 0.10.2.dev20260603
libtpu: 0.0.44.dev20260713+nightly
codegen_flags: <defaults>
</compile_context>

<pallas_src>
import functools

import jax
import jax.numpy as jnp
from jax import lax
from jax.experimental import pallas as pl
from jax.experimental.pallas import tpu as pltpu
from jax.experimental.pallas import tpu_sc as plsc

_N = 10000
_R = 320
_G = _R // 16
_NC = 2
_NS = 16
_MAGIC = 0x5F3759DF


def _iota16():
    return lax.broadcasted_iota(jnp.int32, (16,), 0)


def _compute_side(rand_v, tail_v, out_v):
    i16 = _iota16()
    c13 = jnp.full((16,), 13, jnp.int32)
    c15 = jnp.full((16,), 15, jnp.int32)

    @plsc.parallel_loop(0, _R, 16, unroll=4)
    def group(r):
        sl = pl.ds(r, 16)
        l0 = rand_v[0, sl]
        l1 = rand_v[1, sl]
        l2 = rand_v[2, sl]
        s = l0 * l0 + l1 * l1 + l2 * l2
        s = jnp.maximum(s, 1e-24)
        i = plsc.bitcast(s, jnp.int32)
        i = _MAGIC - lax.shift_right_logical(i, 1)
        y = plsc.bitcast(i, jnp.float32)
        for _ in range(2):
            y = y * (1.5 - 0.5 * s * y * y)
        scale = 10.0 * y
        ridx = i16 + r
        a = plsc.load_gather(tail_v, [ridx, c13])
        b = plsc.load_gather(tail_v, [ridx, c15])
        out_v[0, sl] = l0 * scale + jnp.where(a != 0.0, -10.0, 0.0)
        out_v[1, sl] = l1 * scale
        out_v[2, sl] = l2 * scale + jnp.where(b != 0.0, -10.0, 0.0)


def _body(xs, xt, lr, rr, left_o, right_o,
          tail_l, tail_r, rand_l, rand_r, out_l, out_r,
          sem_l, sem_r, sem_rl, sem_rr):
    cid = lax.axis_index("c")
    sid = lax.axis_index("s")
    wid = sid * _NC + cid
    base = jnp.minimum(wid * _R, _N - _R)

    cl = pltpu.async_copy(xs.at[pl.ds(base, _R), pl.ds(112, 16)], tail_l, sem_l)
    cr = pltpu.async_copy(xt.at[pl.ds(base, _R), pl.ds(112, 16)], tail_r, sem_r)
    crl = pltpu.async_copy(lr.at[:, pl.ds(base, _R)], rand_l, sem_rl)
    crr = pltpu.async_copy(rr.at[:, pl.ds(base, _R)], rand_r, sem_rr)

    crl.wait()
    cl.wait()
    _compute_side(rand_l, tail_l, out_l)
    pltpu.sync_copy(out_l, left_o.at[:, pl.ds(base, _R)])

    crr.wait()
    cr.wait()
    _compute_side(rand_r, tail_r, out_r)
    pltpu.sync_copy(out_r, right_o.at[:, pl.ds(base, _R)])


@jax.jit
def _run(xs, xt, lr_t, rr_t):
    f32 = jnp.float32
    k = functools.partial(
        pl.kernel,
        out_type=(jax.ShapeDtypeStruct((3, _N), f32),
                  jax.ShapeDtypeStruct((3, _N), f32)),
        mesh=plsc.VectorSubcoreMesh(core_axis_name="c", subcore_axis_name="s"),
        compiler_params=pltpu.CompilerParams(
            needs_layout_passes=False, use_tc_tiling_on_sc=False),
        scratch_types=[
            pltpu.VMEM((_R, 16), f32),
            pltpu.VMEM((_R, 16), f32),
            pltpu.VMEM((3, _R), f32),
            pltpu.VMEM((3, _R), f32),
            pltpu.VMEM((3, _R), f32),
            pltpu.VMEM((3, _R), f32),
            pltpu.SemaphoreType.DMA,
            pltpu.SemaphoreType.DMA,
            pltpu.SemaphoreType.DMA,
            pltpu.SemaphoreType.DMA,
        ],
    )(_body)
    return k(xs, xt, lr_t, rr_t)


def kernel(x_s, x_t, edge_index, left_rand, right_rand):
    del edge_index
    left_t, right_t = _run(x_s, x_t, left_rand.T, right_rand.T)
    return left_t.T, right_t.T

# --- scband reference (transcript-rebuilt; emitter-appended) ---
"""Pipeline reference for scband-gcnrand-63479616635262 (READ-ONLY COPY).

The authoritative reference and input builder live on the scoring server;
editing this copy changes nothing except your own understanding.
"""

import jax, jax.numpy as jnp
import numpy as np

NCONS = 10000
NVARS = 10000
DFEAT = 128
NEDGE = 320000


def setup_inputs(seed: int = 0) -> dict:
    key = jax.random.key(seed)
    k1, k2, k3, k4, k5 = jax.random.split(key, 5)
    x_s = jax.random.normal(k1, (NCONS, DFEAT), dtype=jnp.float32)
    x_t = jax.random.normal(k2, (NVARS, DFEAT), dtype=jnp.float32)
    edge_index = jax.random.randint(k3, (2, NEDGE), 0, NCONS)
    # torch.rand(ncons,3)/torch.rand(nvars,3) generated inside forward in the
    # original module; materialized here so the reference is deterministic.
    left_rand = jax.random.uniform(k4, (NCONS, 3), dtype=jnp.float32)
    right_rand = jax.random.uniform(k5, (NVARS, 3), dtype=jnp.float32)
    return {"x_s": x_s, "x_t": x_t, "edge_index": edge_index,
            "left_rand": left_rand, "right_rand": right_rand}


def _l2_normalize(v):
    # F.normalize(v, p=2, dim=1) with eps=1e-12
    n = jnp.sqrt(jnp.sum(v * v, axis=1, keepdims=True))
    return v / jnp.maximum(n, 1e-12)


def reference(x_s, x_t, edge_index, left_rand, right_rand):
    bound = 10.0
    left = _l2_normalize(left_rand) * 10.0
    right = _l2_normalize(right_rand) * 10.0
    cons_l_mask = jnp.abs(x_s[:, -3]) != 0.0
    cons_u_mask = jnp.abs(x_s[:, -1]) != 0.0
    vars_l_mask = jnp.abs(x_t[:, -3]) != 0.0
    vars_u_mask = jnp.abs(x_t[:, -1]) != 0.0
    left = left.at[:, 0].add(jnp.where(cons_l_mask, -bound, 0.0))
    left = left.at[:, 2].add(jnp.where(cons_u_mask, -bound, 0.0))
    right = right.at[:, 0].add(jnp.where(vars_l_mask, -bound, 0.0))
    right = right.at[:, 2].add(jnp.where(vars_u_mask, -bound, 0.0))
    return (left, right)

if __name__ == "__main__":
    import jax
    _d = setup_inputs()
    print(jax.jit(kernel)(*tuple(_d.values())))

</pallas_src>

<mosaic_0001>
#map = affine_map<(d0, d1) -> (0, 0)>
module attributes {stable_mosaic.version = 14 : i64} {
  func.func @_body(%arg0: i32, %arg1: i32, %arg2: memref<10000x128xf32, #tpu.memory_space<hbm>>, %arg3: memref<10000x128xf32, #tpu.memory_space<hbm>>, %arg4: memref<3x10000xf32, #tpu.memory_space<hbm>>, %arg5: memref<3x10000xf32, #tpu.memory_space<hbm>>, %arg6: memref<3x10000xf32, #tpu.memory_space<hbm>>, %arg7: memref<3x10000xf32, #tpu.memory_space<hbm>>, %arg8: memref<320x16xf32, #tpu.memory_space<vmem>>, %arg9: memref<320x16xf32, #tpu.memory_space<vmem>>, %arg10: memref<3x320xf32, #tpu.memory_space<vmem>>, %arg11: memref<3x320xf32, #tpu.memory_space<vmem>>, %arg12: memref<3x320xf32, #tpu.memory_space<vmem>>, %arg13: memref<3x320xf32, #tpu.memory_space<vmem>>, %arg14: memref<!tpu.dma_semaphore, #tpu.memory_space<semaphore_mem>>, %arg15: memref<!tpu.dma_semaphore, #tpu.memory_space<semaphore_mem>>, %arg16: memref<!tpu.dma_semaphore, #tpu.memory_space<semaphore_mem>>, %arg17: memref<!tpu.dma_semaphore, #tpu.memory_space<semaphore_mem>>) attributes {dimension_semantics = [#tpu.dimension_semantics<core_parallel>, #tpu.dimension_semantics<subcore_parallel>], iteration_bounds = array<i64: 2, 16>, scalar_prefetch = 0 : i64, scratch_operands = 10 : i64, tpu.core_type = #tpu.core_type<sc_vector_subcore>, window_params = [{transform_indices = #map}, {transform_indices = #map}, {transform_indices = #map}, {transform_indices = #map}, {transform_indices = #map}, {transform_indices = #map}]} {
    %mul3A = arith.constant 2 : i32
    %mul3A_0 = arith.muli %arg1, %mul3A : i32
    %add3A = arith.addi %mul3A_0, %arg0 : i32
    %mul3A_1 = arith.constant 320 : i32
    %mul3A_2 = arith.muli %add3A, %mul3A_1 : i32
    %min3A = arith.constant 9680 : i32
    %min3A_3 = arith.minsi %mul3A_2, %min3A : i32
    %dma_start3A = arith.constant 112 : i32
    %dma_start3A_4 = tpu.memref_slice %arg2[%min3A_3, %dma_start3A] : memref<10000x128xf32, #tpu.memory_space<hbm>> -> memref<320x16xf32, #tpu.memory_space<hbm>>
    %dma_start3A_5 = arith.constant 112 : i32
    %dma_start3A_6 = tpu.memref_slice %arg2[%min3A_3, %dma_start3A_5] : memref<10000x128xf32, #tpu.memory_space<hbm>> -> memref<320x16xf32, #tpu.memory_space<hbm>>
    tpu.enqueue_dma source(%dma_start3A_6 : memref<320x16xf32, #tpu.memory_space<hbm>>) target(%arg8 : memref<320x16xf32, #tpu.memory_space<vmem>>) target_semaphore(%arg14 : memref<!tpu.dma_semaphore, #tpu.memory_space<semaphore_mem>>)
    %dma_start3A_7 = arith.constant 112 : i32
    %dma_start3A_8 = tpu.memref_slice %arg3[%min3A_3, %dma_start3A_7] : memref<10000x128xf32, #tpu.memory_space<hbm>> -> memref<320x16xf32, #tpu.memory_space<hbm>>
    %dma_start3A_9 = arith.constant 112 : i32
    %dma_start3A_10 = tpu.memref_slice %arg3[%min3A_3, %dma_start3A_9] : memref<10000x128xf32, #tpu.memory_space<hbm>> -> memref<320x16xf32, #tpu.memory_space<hbm>>
    tpu.enqueue_dma source(%dma_start3A_10 : memref<320x16xf32, #tpu.memory_space<hbm>>) target(%arg9 : memref<320x16xf32, #tpu.memory_space<vmem>>) target_semaphore(%arg15 : memref<!tpu.dma_semaphore, #tpu.memory_space<semaphore_mem>>)
    %dma_start3A_11 = arith.constant 0 : i32
    %dma_start3A_12 = tpu.memref_slice %arg4[%dma_start3A_11, %min3A_3] : memref<3x10000xf32, #tpu.memory_space<hbm>> -> memref<3x320xf32, #tpu.memory_space<hbm>>
    %dma_start3A_13 = arith.constant 0 : i32
    %dma_start3A_14 = tpu.memref_slice %arg4[%dma_start3A_13, %min3A_3] : memref<3x10000xf32, #tpu.memory_space<hbm>> -> memref<3x320xf32, #tpu.memory_space<hbm>>
    tpu.enqueue_dma source(%dma_start3A_14 : memref<3x320xf32, #tpu.memory_space<hbm>>) target(%arg10 : memref<3x320xf32, #tpu.memory_space<vmem>>) target_semaphore(%arg16 : memref<!tpu.dma_semaphore, #tpu.memory_space<semaphore_mem>>)
    %dma_start3A_15 = arith.constant 0 : i32
    %dma_start3A_16 = tpu.memref_slice %arg5[%dma_start3A_15, %min3A_3] : memref<3x10000xf32, #tpu.memory_space<hbm>> -> memref<3x320xf32, #tpu.memory_space<hbm>>
    %dma_start3A_17 = arith.constant 0 : i32
    %dma_start3A_18 = tpu.memref_slice %arg5[%dma_start3A_17, %min3A_3] : memref<3x10000xf32, #tpu.memory_space<hbm>> -> memref<3x320xf32, #tpu.memory_space<hbm>>
    tpu.enqueue_dma source(%dma_start3A_18 : memref<3x320xf32, #tpu.memory_space<hbm>>) target(%arg11 : memref<3x320xf32, #tpu.memory_space<vmem>>) target_semaphore(%arg17 : memref<!tpu.dma_semaphore, #tpu.memory_space<semaphore_mem>>)
    %dma_wait3A = arith.constant 0 : i32
    %dma_wait3A_19 = tpu.memref_slice %arg4[%dma_wait3A, %min3A_3] : memref<3x10000xf32, #tpu.memory_space<hbm>> -> memref<3x320xf32, #tpu.memory_space<hbm>>
    %dma_wait3A_20 = arith.constant 0 : i32
    %dma_wait3A_21 = tpu.memref_slice %arg4[%dma_wait3A_20, %min3A_3] : memref<3x10000xf32, #tpu.memory_space<hbm>> -> memref<3x320xf32, #tpu.memory_space<hbm>>
    tpu.wait_dma2 semaphore(%arg16 : memref<!tpu.dma_semaphore, #tpu.memory_space<semaphore_mem>>) src(%dma_wait3A_21 : memref<3x320xf32, #tpu.memory_space<hbm>>) dst(%arg10 : memref<3x320xf32, #tpu.memory_space<vmem>>)
    %dma_wait3A_22 = arith.constant 112 : i32
    %dma_wait3A_23 = tpu.memref_slice %arg2[%min3A_3, %dma_wait3A_22] : memref<10000x128xf32, #tpu.memory_space<hbm>> -> memref<320x16xf32, #tpu.memory_space<hbm>>
    %dma_wait3A_24 = arith.constant 112 : i32
    %dma_wait3A_25 = tpu.memref_slice %arg2[%min3A_3, %dma_wait3A_24] : memref<10000x128xf32, #tpu.memory_space<hbm>> -> memref<320x16xf32, #tpu.memory_space<hbm>>
    tpu.wait_dma2 semaphore(%arg14 : memref<!tpu.dma_semaphore, #tpu.memory_space<semaphore_mem>>) src(%dma_wait3A_25 : memref<320x16xf32, #tpu.memory_space<hbm>>) dst(%arg8 : memref<320x16xf32, #tpu.memory_space<vmem>>)
    %iota3A = tpu.iota {dimensions = array<i32: 0>} : vector<16xi32>
    %broadcast_in_dim3A = arith.constant 13 : i32
    %broadcast_in_dim3A_26 = vector.broadcast %broadcast_in_dim3A : i32 to vector<16xi32>
    %broadcast_in_dim3A_27 = arith.constant 15 : i32
    %broadcast_in_dim3A_28 = vector.broadcast %broadcast_in_dim3A_27 : i32 to vector<16xi32>
    %parallel_loop3A = arith.constant 0 : i32
    %parallel_loop3A_29 = arith.constant 320 : i32
    %parallel_loop3A_30 = arith.constant 16 : i32
    scf.for %parallel_loop3A_47 = %parallel_loop3A to %parallel_loop3A_29 step %parallel_loop3A_30  : i32 {
      %parallel_loop3A_48 = arith.constant 0 : i32
      %parallel_loop3A_49 = arith.index_cast %parallel_loop3A_48 : i32 to index
      %parallel_loop3A_50 = arith.index_cast %parallel_loop3A_47 : i32 to index
      %parallel_loop3A_51 = tpu.vector_load %arg10[%parallel_loop3A_49, %parallel_loop3A_50] {strides = array<i32>} : memref<3x320xf32, #tpu.memory_space<vmem>>, vector<16xf32>,
      %parallel_loop3A_52 = arith.constant 1 : i32
      %parallel_loop3A_53 = arith.index_cast %parallel_loop3A_52 : i32 to index
      %parallel_loop3A_54 = arith.index_cast %parallel_loop3A_47 : i32 to index
      %parallel_loop3A_55 = tpu.vector_load %arg10[%parallel_loop3A_53, %parallel_loop3A_54] {strides = array<i32>} : memref<3x320xf32, #tpu.memory_space<vmem>>, vector<16xf32>,
      %parallel_loop3A_56 = arith.constant 2 : i32
      %parallel_loop3A_57 = arith.index_cast %parallel_loop3A_56 : i32 to index
      %parallel_loop3A_58 = arith.index_cast %parallel_loop3A_47 : i32 to index
      %parallel_loop3A_59 = tpu.vector_load %arg10[%parallel_loop3A_57, %parallel_loop3A_58] {strides = array<i32>} : memref<3x320xf32, #tpu.memory_space<vmem>>, vector<16xf32>,
      %parallel_loop3A_60 = arith.mulf %parallel_loop3A_51, %parallel_loop3A_51 : vector<16xf32>
      %parallel_loop3A_61 = arith.mulf %parallel_loop3A_55, %parallel_loop3A_55 : vector<16xf32>
      %parallel_loop3A_62 = arith.addf %parallel_loop3A_60, %parallel_loop3A_61 : vector<16xf32>
      %parallel_loop3A_63 = arith.mulf %parallel_loop3A_59, %parallel_loop3A_59 : vector<16xf32>
      %parallel_loop3A_64 = arith.addf %parallel_loop3A_62, %parallel_loop3A_63 : vector<16xf32>
      %parallel_loop3A_65 = arith.constant 1.000000e-24 : f32
      %parallel_loop3A_66 = vector.broadcast %parallel_loop3A_65 : f32 to vector<16xf32>
      %parallel_loop3A_67 = arith.maximumf %parallel_loop3A_64, %parallel_loop3A_66 : vector<16xf32>
      %parallel_loop3A_68 = vector.bitcast %parallel_loop3A_67 : vector<16xf32> to vector<16xi32>
      %parallel_loop3A_69 = arith.constant 1 : i32
      %parallel_loop3A_70 = vector.broadcast %parallel_loop3A_69 : i32 to vector<16xi32>
      %parallel_loop3A_71 = arith.shrui %parallel_loop3A_68, %parallel_loop3A_70 : vector<16xi32>
      %parallel_loop3A_72 = arith.constant 1597463007 : i32
      %parallel_loop3A_73 = vector.broadcast %parallel_loop3A_72 : i32 to vector<16xi32>
      %parallel_loop3A_74 = arith.subi %parallel_loop3A_73, %parallel_loop3A_71 : vector<16xi32>
      %parallel_loop3A_75 = vector.bitcast %parallel_loop3A_74 : vector<16xi32> to vector<16xf32>
      %parallel_loop3A_76 = arith.constant 5.000000e-01 : f32
      %parallel_loop3A_77 = vector.broadcast %parallel_loop3A_76 : f32 to vector<16xf32>
      %parallel_loop3A_78 = arith.mulf %parallel_loop3A_77, %parallel_loop3A_67 : vector<16xf32>
      %parallel_loop3A_79 = arith.mulf %parallel_loop3A_78, %parallel_loop3A_75 : vector<16xf32>
      %parallel_loop3A_80 = arith.mulf %parallel_loop3A_79, %parallel_loop3A_75 : vector<16xf32>
      %parallel_loop3A_81 = arith.constant 1.500000e+00 : f32
      %parallel_loop3A_82 = vector.broadcast %parallel_loop3A_81 : f32 to vector<16xf32>
      %parallel_loop3A_83 = arith.subf %parallel_loop3A_82, %parallel_loop3A_80 : vector<16xf32>
      %parallel_loop3A_84 = arith.mulf %parallel_loop3A_75, %parallel_loop3A_83 : vector<16xf32>
      %parallel_loop3A_85 = arith.constant 5.000000e-01 : f32
      %parallel_loop3A_86 = vector.broadcast %parallel_loop3A_85 : f32 to vector<16xf32>
      %parallel_loop3A_87 = arith.mulf %parallel_loop3A_86, %parallel_loop3A_67 : vector<16xf32>
      %parallel_loop3A_88 = arith.mulf %parallel_loop3A_87, %parallel_loop3A_84 : vector<16xf32>
      %parallel_loop3A_89 = arith.mulf %parallel_loop3A_88, %parallel_loop3A_84 : vector<16xf32>
      %parallel_loop3A_90 = arith.constant 1.500000e+00 : f32
      %parallel_loop3A_91 = vector.broadcast %parallel_loop3A_90 : f32 to vector<16xf32>
      %parallel_loop3A_92 = arith.subf %parallel_loop3A_91, %parallel_loop3A_89 : vector<16xf32>
      %parallel_loop3A_93 = arith.mulf %parallel_loop3A_84, %parallel_loop3A_92 : vector<16xf32>
      %parallel_loop3A_94 = arith.constant 1.000000e+01 : f32
      %parallel_loop3A_95 = vector.broadcast %parallel_loop3A_94 : f32 to vector<16xf32>
      %parallel_loop3A_96 = arith.mulf %parallel_loop3A_95, %parallel_loop3A_93 : vector<16xf32>
      %parallel_loop3A_97 = vector.broadcast %parallel_loop3A_47 : i32 to vector<16xi32>
      %parallel_loop3A_98 = arith.addi %iota3A, %parallel_loop3A_97 : vector<16xi32>
      %parallel_loop3A_99 = tpu.vector_load_idx %arg8[%parallel_loop3A_98, %broadcast_in_dim3A_26] : memref<320x16xf32, #tpu.memory_space<vmem>>[vector<16xi32>, vector<16xi32>], vector<16xf32>,
      %parallel_loop3A_100 = tpu.vector_load_idx %arg8[%parallel_loop3A_98, %broadcast_in_dim3A_28] : memref<320x16xf32, #tpu.memory_space<vmem>>[vector<16xi32>, vector<16xi32>], vector<16xf32>,
      %parallel_loop3A_101 = arith.mulf %parallel_loop3A_51, %parallel_loop3A_96 : vector<16xf32>
      %parallel_loop3A_102 = arith.constant 0.000000e+00 : f32
      %parallel_loop3A_103 = vector.broadcast %parallel_loop3A_102 : f32 to vector<16xf32>
      %parallel_loop3A_104 = arith.cmpf one, %parallel_loop3A_99, %parallel_loop3A_103 : vector<16xf32>
      %parallel_loop3A_105 = arith.constant -1.000000e+01 : f32
      %parallel_loop3A_106 = arith.constant 0.000000e+00 : f32
      %parallel_loop3A_107 = vector.broadcast %parallel_loop3A_105 : f32 to vector<16xf32>
      %parallel_loop3A_108 = vector.broadcast %parallel_loop3A_106 : f32 to vector<16xf32>
      %parallel_loop3A_109 = arith.select %parallel_loop3A_104, %parallel_loop3A_107, %parallel_loop3A_108 : vector<16xi1>, vector<16xf32>
      %parallel_loop3A_110 = arith.addf %parallel_loop3A_101, %parallel_loop3A_109 : vector<16xf32>
      %parallel_loop3A_111 = arith.constant 0 : i32
      %parallel_loop3A_112 = arith.index_cast %parallel_loop3A_111 : i32 to index
      %parallel_loop3A_113 = arith.index_cast %parallel_loop3A_47 : i32 to index
      %parallel_loop3A_114 = tpu.vector_load %arg12[%parallel_loop3A_112, %parallel_loop3A_113] {strides = array<i32>} : memref<3x320xf32, #tpu.memory_space<vmem>>, vector<16xf32>,
      tpu.vector_store %arg12[%parallel_loop3A_112, %parallel_loop3A_113], %parallel_loop3A_110 {strides = array<i32>} : memref<3x320xf32, #tpu.memory_space<vmem>>, vector<16xf32>,
      %parallel_loop3A_115 = arith.mulf %parallel_loop3A_55, %parallel_loop3A_96 : vector<16xf32>
      %parallel_loop3A_116 = arith.constant 1 : i32
      %parallel_loop3A_117 = arith.index_cast %parallel_loop3A_116 : i32 to index
      %parallel_loop3A_118 = arith.index_cast %parallel_loop3A_47 : i32 to index
      %parallel_loop3A_119 = tpu.vector_load %arg12[%parallel_loop3A_117, %parallel_loop3A_118] {strides = array<i32>} : memref<3x320xf32, #tpu.memory_space<vmem>>, vector<16xf32>,
      tpu.vector_store %arg12[%parallel_loop3A_117, %parallel_loop3A_118], %parallel_loop3A_115 {strides = array<i32>} : memref<3x320xf32, #tpu.memory_space<vmem>>, vector<16xf32>,
      %parallel_loop3A_120 = arith.mulf %parallel_loop3A_59, %parallel_loop3A_96 : vector<16xf32>
      %parallel_loop3A_121 = arith.constant 0.000000e+00 : f32
      %parallel_loop3A_122 = vector.broadcast %parallel_loop3A_121 : f32 to vector<16xf32>
      %parallel_loop3A_123 = arith.cmpf one, %parallel_loop3A_100, %parallel_loop3A_122 : vector<16xf32>
      %parallel_loop3A_124 = arith.constant -1.000000e+01 : f32
      %parallel_loop3A_125 = arith.constant 0.000000e+00 : f32
      %parallel_loop3A_126 = vector.broadcast %parallel_loop3A_124 : f32 to vector<16xf32>
      %parallel_loop3A_127 = vector.broadcast %parallel_loop3A_125 : f32 to vector<16xf32>
      %parallel_loop3A_128 = arith.select %parallel_loop3A_123, %parallel_loop3A_126, %parallel_loop3A_127 : vector<16xi1>, vector<16xf32>
      %parallel_loop3A_129 = arith.addf %parallel_loop3A_120, %parallel_loop3A_128 : vector<16xf32>
      %parallel_loop3A_130 = arith.constant 2 : i32
      %parallel_loop3A_131 = arith.index_cast %parallel_loop3A_130 : i32 to index
      %parallel_loop3A_132 = arith.index_cast %parallel_loop3A_47 : i32 to index
      %parallel_loop3A_133 = tpu.vector_load %arg12[%parallel_loop3A_131, %parallel_loop3A_132] {strides = array<i32>} : memref<3x320xf32, #tpu.memory_space<vmem>>, vector<16xf32>,
      tpu.vector_store %arg12[%parallel_loop3A_131, %parallel_loop3A_132], %parallel_loop3A_129 {strides = array<i32>} : memref<3x320xf32, #tpu.memory_space<vmem>>, vector<16xf32>,
    } {sc.loop_unroll_factor = 4 : i64, sc.parallel_access}
    "tpu.region"() ({
      %run_scoped3A = tpu.sem_alloc : memref<!tpu.dma_semaphore, #tpu.memory_space<semaphore_mem>>
      %dma_start3A_47 = arith.constant 0 : i32
      %dma_start3A_48 = tpu.memref_slice %arg6[%dma_start3A_47, %min3A_3] : memref<3x10000xf32, #tpu.memory_space<hbm>> -> memref<3x320xf32, #tpu.memory_space<hbm>>
      %dma_start3A_49 = arith.constant 0 : i32
      %dma_start3A_50 = tpu.memref_slice %arg6[%dma_start3A_49, %min3A_3] : memref<3x10000xf32, #tpu.memory_space<hbm>> -> memref<3x320xf32, #tpu.memory_space<hbm>>
      tpu.enqueue_dma source(%arg12 : memref<3x320xf32, #tpu.memory_space<vmem>>) target(%dma_start3A_50 : memref<3x320xf32, #tpu.memory_space<hbm>>) target_semaphore(%run_scoped3A : memref<!tpu.dma_semaphore, #tpu.memory_space<semaphore_mem>>)
      %dma_wait3A_51 = arith.constant 0 : i32
      %dma_wait3A_52 = tpu.memref_slice %arg6[%dma_wait3A_51, %min3A_3] : memref<3x10000xf32, #tpu.memory_space<hbm>> -> memref<3x320xf32, #tpu.memory_space<hbm>>
      %dma_wait3A_53 = arith.constant 0 : i32
      %dma_wait3A_54 = tpu.memref_slice %arg6[%dma_wait3A_53, %min3A_3] : memref<3x10000xf32, #tpu.memory_space<hbm>> -> memref<3x320xf32, #tpu.memory_space<hbm>>
      tpu.wait_dma2 semaphore(%run_scoped3A : memref<!tpu.dma_semaphore, #tpu.memory_space<semaphore_mem>>) src(%arg12 : memref<3x320xf32, #tpu.memory_space<vmem>>) dst(%dma_wait3A_54 : memref<3x320xf32, #tpu.memory_space<hbm>>)
      tpu.yield
    }) : () -> ()
    %dma_wait3A_31 = arith.constant 0 : i32
    %dma_wait3A_32 = tpu.memref_slice %arg5[%dma_wait3A_31, %min3A_3] : memref<3x10000xf32, #tpu.memory_space<hbm>> -> memref<3x320xf32, #tpu.memory_space<hbm>>
    %dma_wait3A_33 = arith.constant 0 : i32
    %dma_wait3A_34 = tpu.memref_slice %arg5[%dma_wait3A_33, %min3A_3] : memref<3x10000xf32, #tpu.memory_space<hbm>> -> memref<3x320xf32, #tpu.memory_space<hbm>>
    tpu.wait_dma2 semaphore(%arg17 : memref<!tpu.dma_semaphore, #tpu.memory_space<semaphore_mem>>) src(%dma_wait3A_34 : memref<3x320xf32, #tpu.memory_space<hbm>>) dst(%arg11 : memref<3x320xf32, #tpu.memory_space<vmem>>)
    %dma_wait3A_35 = arith.constant 112 : i32
    %dma_wait3A_36 = tpu.memref_slice %arg3[%min3A_3, %dma_wait3A_35] : memref<10000x128xf32, #tpu.memory_space<hbm>> -> memref<320x16xf32, #tpu.memory_space<hbm>>
    %dma_wait3A_37 = arith.constant 112 : i32
    %dma_wait3A_38 = tpu.memref_slice %arg3[%min3A_3, %dma_wait3A_37] : memref<10000x128xf32, #tpu.memory_space<hbm>> -> memref<320x16xf32, #tpu.memory_space<hbm>>
    tpu.wait_dma2 semaphore(%arg15 : memref<!tpu.dma_semaphore, #tpu.memory_space<semaphore_mem>>) src(%dma_wait3A_38 : memref<320x16xf32, #tpu.memory_space<hbm>>) dst(%arg9 : memref<320x16xf32, #tpu.memory_space<vmem>>)
    %iota3A_39 = tpu.iota {dimensions = array<i32: 0>} : vector<16xi32>
    %broadcast_in_dim3A_40 = arith.constant 13 : i32
    %broadcast_in_dim3A_41 = vector.broadcast %broadcast_in_dim3A_40 : i32 to vector<16xi32>
    %broadcast_in_dim3A_42 = arith.constant 15 : i32
    %broadcast_in_dim3A_43 = vector.broadcast %broadcast_in_dim3A_42 : i32 to vector<16xi32>
    %parallel_loop3A_44 = arith.constant 0 : i32
    %parallel_loop3A_45 = arith.constant 320 : i32
    %parallel_loop3A_46 = arith.constant 16 : i32
    scf.for %parallel_loop3A_47 = %parallel_loop3A_44 to %parallel_loop3A_45 step %parallel_loop3A_46  : i32 {
      %parallel_loop3A_48 = arith.constant 0 : i32
      %parallel_loop3A_49 = arith.index_cast %parallel_loop3A_48 : i32 to index
      %parallel_loop3A_50 = arith.index_cast %parallel_loop3A_47 : i32 to index
      %parallel_loop3A_51 = tpu.vector_load %arg11[%parallel_loop3A_49, %parallel_loop3A_50] {strides = array<i32>} : memref<3x320xf32, #tpu.memory_space<vmem>>, vector<16xf32>,
      %parallel_loop3A_52 = arith.constant 1 : i32
      %parallel_loop3A_53 = arith.index_cast %parallel_loop3A_52 : i32 to index
      %parallel_loop3A_54 = arith.index_cast %parallel_loop3A_47 : i32 to index
      %parallel_loop3A_55 = tpu.vector_load %arg11[%parallel_loop3A_53, %parallel_loop3A_54] {strides = array<i32>} : memref<3x320xf32, #tpu.memory_space<vmem>>, vector<16xf32>,
      %parallel_loop3A_56 = arith.constant 2 : i32
      %parallel_loop3A_57 = arith.index_cast %parallel_loop3A_56 : i32 to index
      %parallel_loop3A_58 = arith.index_cast %parallel_loop3A_47 : i32 to index
      %parallel_loop3A_59 = tpu.vector_load %arg11[%parallel_loop3A_57, %parallel_loop3A_58] {strides = array<i32>} : memref<3x320xf32, #tpu.memory_space<vmem>>, vector<16xf32>,
      %parallel_loop3A_60 = arith.mulf %parallel_loop3A_51, %parallel_loop3A_51 : vector<16xf32>
      %parallel_loop3A_61 = arith.mulf %parallel_loop3A_55, %parallel_loop3A_55 : vector<16xf32>
      %parallel_loop3A_62 = arith.addf %parallel_loop3A_60, %parallel_loop3A_61 : vector<16xf32>
      %parallel_loop3A_63 = arith.mulf %parallel_loop3A_59, %parallel_loop3A_59 : vector<16xf32>
      %parallel_loop3A_64 = arith.addf %parallel_loop3A_62, %parallel_loop3A_63 : vector<16xf32>
      %parallel_loop3A_65 = arith.constant 1.000000e-24 : f32
      %parallel_loop3A_66 = vector.broadcast %parallel_loop3A_65 : f32 to vector<16xf32>
      %parallel_loop3A_67 = arith.maximumf %parallel_loop3A_64, %parallel_loop3A_66 : vector<16xf32>
      %parallel_loop3A_68 = vector.bitcast %parallel_loop3A_67 : vector<16xf32> to vector<16xi32>
      %parallel_loop3A_69 = arith.constant 1 : i32
      %parallel_loop3A_70 = vector.broadcast %parallel_loop3A_69 : i32 to vector<16xi32>
      %parallel_loop3A_71 = arith.shrui %parallel_loop3A_68, %parallel_loop3A_70 : vector<16xi32>
      %parallel_loop3A_72 = arith.constant 1597463007 : i32
      %parallel_loop3A_73 = vector.broadcast %parallel_loop3A_72 : i32 to vector<16xi32>
      %parallel_loop3A_74 = arith.subi %parallel_loop3A_73, %parallel_loop3A_71 : vector<16xi32>
      %parallel_loop3A_75 = vector.bitcast %parallel_loop3A_74 : vector<16xi32> to vector<16xf32>
      %parallel_loop3A_76 = arith.constant 5.000000e-01 : f32
      %parallel_loop3A_77 = vector.broadcast %parallel_loop3A_76 : f32 to vector<16xf32>
      %parallel_loop3A_78 = arith.mulf %parallel_loop3A_77, %parallel_loop3A_67 : vector<16xf32>
      %parallel_loop3A_79 = arith.mulf %parallel_loop3A_78, %parallel_loop3A_75 : vector<16xf32>
      %parallel_loop3A_80 = arith.mulf %parallel_loop3A_79, %parallel_loop3A_75 : vector<16xf32>
      %parallel_loop3A_81 = arith.constant 1.500000e+00 : f32
      %parallel_loop3A_82 = vector.broadcast %parallel_loop3A_81 : f32 to vector<16xf32>
      %parallel_loop3A_83 = arith.subf %parallel_loop3A_82, %parallel_loop3A_80 : vector<16xf32>
      %parallel_loop3A_84 = arith.mulf %parallel_loop3A_75, %parallel_loop3A_83 : vector<16xf32>
      %parallel_loop3A_85 = arith.constant 5.000000e-01 : f32
      %parallel_loop3A_86 = vector.broadcast %parallel_loop3A_85 : f32 to vector<16xf32>
      %parallel_loop3A_87 = arith.mulf %parallel_loop3A_86, %parallel_loop3A_67 : vector<16xf32>
      %parallel_loop3A_88 = arith.mulf %parallel_loop3A_87, %parallel_loop3A_84 : vector<16xf32>
      %parallel_loop3A_89 = arith.mulf %parallel_loop3A_88, %parallel_loop3A_84 : vector<16xf32>
      %parallel_loop3A_90 = arith.constant 1.500000e+00 : f32
      %parallel_loop3A_91 = vector.broadcast %parallel_loop3A_90 : f32 to vector<16xf32>
      %parallel_loop3A_92 = arith.subf %parallel_loop3A_91, %parallel_loop3A_89 : vector<16xf32>
      %parallel_loop3A_93 = arith.mulf %parallel_loop3A_84, %parallel_loop3A_92 : vector<16xf32>
      %parallel_loop3A_94 = arith.constant 1.000000e+01 : f32
      %parallel_loop3A_95 = vector.broadcast %parallel_loop3A_94 : f32 to vector<16xf32>
      %parallel_loop3A_96 = arith.mulf %parallel_loop3A_95, %parallel_loop3A_93 : vector<16xf32>
      %parallel_loop3A_97 = vector.broadcast %parallel_loop3A_47 : i32 to vector<16xi32>
      %parallel_loop3A_98 = arith.addi %iota3A_39, %parallel_loop3A_97 : vector<16xi32>
      %parallel_loop3A_99 = tpu.vector_load_idx %arg9[%parallel_loop3A_98, %broadcast_in_dim3A_41] : memref<320x16xf32, #tpu.memory_space<vmem>>[vector<16xi32>, vector<16xi32>], vector<16xf32>,
      %parallel_loop3A_100 = tpu.vector_load_idx %arg9[%parallel_loop3A_98, %broadcast_in_dim3A_43] : memref<320x16xf32, #tpu.memory_space<vmem>>[vector<16xi32>, vector<16xi32>], vector<16xf32>,
      %parallel_loop3A_101 = arith.mulf %parallel_loop3A_51, %parallel_loop3A_96 : vector<16xf32>
      %parallel_loop3A_102 = arith.constant 0.000000e+00 : f32
      %parallel_loop3A_103 = vector.broadcast %parallel_loop3A_102 : f32 to vector<16xf32>
      %parallel_loop3A_104 = arith.cmpf one, %parallel_loop3A_99, %parallel_loop3A_103 : vector<16xf32>
      %parallel_loop3A_105 = arith.constant -1.000000e+01 : f32
      %parallel_loop3A_106 = arith.constant 0.000000e+00 : f32
      %parallel_loop3A_107 = vector.broadcast %parallel_loop3A_105 : f32 to vector<16xf32>
      %parallel_loop3A_108 = vector.broadcast %parallel_loop3A_106 : f32 to vector<16xf32>
      %parallel_loop3A_109 = arith.select %parallel_loop3A_104, %parallel_loop3A_107, %parallel_loop3A_108 : vector<16xi1>, vector<16xf32>
      %parallel_loop3A_110 = arith.addf %parallel_loop3A_101, %parallel_loop3A_109 : vector<16xf32>
      %parallel_loop3A_111 = arith.constant 0 : i32
      %parallel_loop3A_112 = arith.index_cast %parallel_loop3A_111 : i32 to index
      %parallel_loop3A_113 = arith.index_cast %parallel_loop3A_47 : i32 to index
      %parallel_loop3A_114 = tpu.vector_load %arg13[%parallel_loop3A_112, %parallel_loop3A_113] {strides = array<i32>} : memref<3x320xf32, #tpu.memory_space<vmem>>, vector<16xf32>,
      tpu.vector_store %arg13[%parallel_loop3A_112, %parallel_loop3A_113], %parallel_loop3A_110 {strides = array<i32>} : memref<3x320xf32, #tpu.memory_space<vmem>>, vector<16xf32>,
      %parallel_loop3A_115 = arith.mulf %parallel_loop3A_55, %parallel_loop3A_96 : vector<16xf32>
      %parallel_loop3A_116 = arith.constant 1 : i32
      %parallel_loop3A_117 = arith.index_cast %parallel_loop3A_116 : i32 to index
      %parallel_loop3A_118 = arith.index_cast %parallel_loop3A_47 : i32 to index
      %parallel_loop3A_119 = tpu.vector_load %arg13[%parallel_loop3A_117, %parallel_loop3A_118] {strides = array<i32>} : memref<3x320xf32, #tpu.memory_space<vmem>>, vector<16xf32>,
      tpu.vector_store %arg13[%parallel_loop3A_117, %parallel_loop3A_118], %parallel_loop3A_115 {strides = array<i32>} : memref<3x320xf32, #tpu.memory_space<vmem>>, vector<16xf32>,
      %parallel_loop3A_120 = arith.mulf %parallel_loop3A_59, %parallel_loop3A_96 : vector<16xf32>
      %parallel_loop3A_121 = arith.constant 0.000000e+00 : f32
      %parallel_loop3A_122 = vector.broadcast %parallel_loop3A_121 : f32 to vector<16xf32>
      %parallel_loop3A_123 = arith.cmpf one, %parallel_loop3A_100, %parallel_loop3A_122 : vector<16xf32>
      %parallel_loop3A_124 = arith.constant -1.000000e+01 : f32
      %parallel_loop3A_125 = arith.constant 0.000000e+00 : f32
      %parallel_loop3A_126 = vector.broadcast %parallel_loop3A_124 : f32 to vector<16xf32>
      %parallel_loop3A_127 = vector.broadcast %parallel_loop3A_125 : f32 to vector<16xf32>
      %parallel_loop3A_128 = arith.select %parallel_loop3A_123, %parallel_loop3A_126, %parallel_loop3A_127 : vector<16xi1>, vector<16xf32>
      %parallel_loop3A_129 = arith.addf %parallel_loop3A_120, %parallel_loop3A_128 : vector<16xf32>
      %parallel_loop3A_130 = arith.constant 2 : i32
      %parallel_loop3A_131 = arith.index_cast %parallel_loop3A_130 : i32 to index
      %parallel_loop3A_132 = arith.index_cast %parallel_loop3A_47 : i32 to index
      %parallel_loop3A_133 = tpu.vector_load %arg13[%parallel_loop3A_131, %parallel_loop3A_132] {strides = array<i32>} : memref<3x320xf32, #tpu.memory_space<vmem>>, vector<16xf32>,
      tpu.vector_store %arg13[%parallel_loop3A_131, %parallel_loop3A_132], %parallel_loop3A_129 {strides = array<i32>} : memref<3x320xf32, #tpu.memory_space<vmem>>, vector<16xf32>,
    } {sc.loop_unroll_factor = 4 : i64, sc.parallel_access}
    "tpu.region"() ({
      %run_scoped3A = tpu.sem_alloc : memref<!tpu.dma_semaphore, #tpu.memory_space<semaphore_mem>>
      %dma_start3A_47 = arith.constant 0 : i32
      %dma_start3A_48 = tpu.memref_slice %arg7[%dma_start3A_47, %min3A_3] : memref<3x10000xf32, #tpu.memory_space<hbm>> -> memref<3x320xf32, #tpu.memory_space<hbm>>
      %dma_start3A_49 = arith.constant 0 : i32
      %dma_start3A_50 = tpu.memref_slice %arg7[%dma_start3A_49, %min3A_3] : memref<3x10000xf32, #tpu.memory_space<hbm>> -> memref<3x320xf32, #tpu.memory_space<hbm>>
      tpu.enqueue_dma source(%arg13 : memref<3x320xf32, #tpu.memory_space<vmem>>) target(%dma_start3A_50 : memref<3x320xf32, #tpu.memory_space<hbm>>) target_semaphore(%run_scoped3A : memref<!tpu.dma_semaphore, #tpu.memory_space<semaphore_mem>>)
      %dma_wait3A_51 = arith.constant 0 : i32
      %dma_wait3A_52 = tpu.memref_slice %arg7[%dma_wait3A_51, %min3A_3] : memref<3x10000xf32, #tpu.memory_space<hbm>> -> memref<3x320xf32, #tpu.memory_space<hbm>>
      %dma_wait3A_53 = arith.constant 0 : i32
      %dma_wait3A_54 = tpu.memref_slice %arg7[%dma_wait3A_53, %min3A_3] : memref<3x10000xf32, #tpu.memory_space<hbm>> -> memref<3x320xf32, #tpu.memory_space<hbm>>
      tpu.wait_dma2 semaphore(%run_scoped3A : memref<!tpu.dma_semaphore, #tpu.memory_space<semaphore_mem>>) src(%arg13 : memref<3x320xf32, #tpu.memory_space<vmem>>) dst(%dma_wait3A_54 : memref<3x320xf32, #tpu.memory_space<hbm>>)
      tpu.yield
    }) : () -> ()
    return
  }
}

</mosaic_0001>

<sc_bundles>
// kernel: _run.3.cloned.1.call-start
scs
__scs_entry_jumppad:
0x0: {  	(pc) =	sbr.rel $0x88, $3  }
0x1: {  	(tag) =	ssettag $0x0;
	lr =	simm.s32 $0x1  }
0x2: {  	[smem:$0x3F9D] =	sst lr;
	_ =	strace $0xD0000000  }
0x3: {  	_ = 	snop  }
0x4: {  	_ = 	snop  }
0x5: {  	_ = 	snop  }
0x6: {  	_ = 	snop  }
0x7: {  	_ = 	snop  }
__scs_overlays_trampoline_lowered:
0x8: {  	[smem:$0x3FAC] =	sst s0  }
0x9: {  	[smem:$0x3FAD] =	sst s1  }
0xa: {  	[smem:$0x3FAE] =	sst s2  }
0xb: {  	[smem:$0x3FAF] =	sst s3  }
0xc: {  	[smem:$0x3FB0] =	sst s4  }
0xd: {  	[smem:$0x3FB1] =	sst s5  }
0xe: {  	[smem:$0x3FB2] =	sst s6  }
0xf: {  	[smem:$0x3FB3] =	sst s7  }
0x10: {  	[smem:$0x3FB4] =	sst s8  }
0x11: {  	[smem:$0x3FB5] =	sst s9;
	s0 =	simm.s32 @!p0 $0x0  }
0x12: {  	s1 =	sld [smem:$0x3F9B];
	s0 =	simm.s32 @p0 $0x1  }
0x13: {  	[smem:$0x3FB6] =	sst s0;
	s0 =	simm.s32 @!p1 $0x0  }
0x14: {  	s2 =	sld [smem:$0x3F9A];
	s0 =	simm.s32 @p1 $0x1  }
0x15: {  	[smem:$0x3FB7] =	sst s0;
	s0 =	simm.s32 @!p2 $0x0  }
0x16: {  	s3 =	sld [smem:$0x3FDB];
	s0 =	simm.s32 @p2 $0x1  }
0x17: {  	s4 =	simm.s32 $0x1BF5;
	[smem:$0x3FB9] =	sst s0  }
0x18: {  	s0 =	sld [smem:$0x3F9C];
	_ =	swait.ge [sflag:s4], $0x0  }
0x19: {  	s7 =	sld [smem:$0x3F9D]  }
0x1a: {  	s8 =	sadd.s32 $0xFFFFE003, lr  }
0x1b: {  	s9 =	sadd.s32 $0xFFFFFEF7, lr;
	s5 =	simm.s32 $0xFFFFFFFF;
	p2 =	slt.u32 s8, $0xFFFFF086  }
0x1c: {  	p1 =	slt.u32 s9, $0xF7A;
	s5 =	simm.s32 @!p2 $0x0  }
0x1d: {  	s5 =	simm.s32 @p1 $0x1;
	p0 =	seq.s32 s7, s2  }
0x1e: {  	s7 =	smul.u32 @!p0 $0xF7A, s2;
	p2 =	seq.s32 @!p0 s5, $0x0  }
0x1f: {  	s9 =	smul.u32 $0xF7A, s1;
	s8 =	simm.s32 @!p0 $0x1BF5;
	p2 =	por !p2, p0  }
0x20: {  	[sflag:s8] =	ssyncset.s32 @!p0 $0xFFFFF086;
	s6 =	sadd.s32 @!p0 s3, s7;
	s7 =	simm.s32 @!p0 $0x108  }
0x21: {  	s3 =	sadd.s32 s3, s9;
	s6 =	sadd.s32 @!p0 $0x88, s6;
	s7 =	simm.s32 @p2 $0x1082  }
0x22: {  	[simem:s7], [sflag:s8] =	dma.local @!p0 [hbm:s6], $0xF7A  }
0x23: {  	s9 =	sor.u32 $0xD0000000, s2;
	s6 =	simm.s32 $0x108;
	_ =	swait.ge @!p0 [sflag:s8], $0x0  }
0x24: {  	s3 =	sadd.s32 $0x88, s3;
	s6 =	simm.s32 @!p1 $0x1082;
	[sflag:s4] =	ssyncset.s32 $0xFFFFF086  }
0x25: {  	[simem:s6], [sflag:s4] =	dma.local [hbm:s3], $0xF7A  }
0x26: {  	[smem:$0x3F9D] =	sst s1;
	(tag) =	ssettag s2;
	_ =	strace s9  }
0x27: {  	s1 =	sld [smem:$0x3FAD]  }
0x28: {  	s2 =	sld [smem:$0x3FAE]  }
0x29: {  	s4 =	sld [smem:$0x3FB0]  }
0x2a: {  	p0 =	seq.s32 s5, $0x0;
	s5 =	sld [smem:$0x3FB1]  }
0x2b: {  	s6 =	sld [smem:$0x3FB2]  }
0x2c: {  	s7 =	sld [smem:$0x3FB3]  }
0x2d: {  	s3 =	simm.s32 $0x108;
	s8 =	sld [smem:$0x3FB4]  }
0x2e: {  	s3 =	simm.s32 @!p0 $0x1082;
	s9 =	sld [smem:$0x3FB5]  }
0x2f: {  	lr =	sadd.s32 s0, s3;
	s0 =	sld [smem:$0x3FAC]  }
0x30: {  	s3 =	sld [smem:$0x3FAF]  }
0x31: {  	[smem:$0x3FB8] =	sst s10  }
0x32: {  	s10 =	sld [smem:$0x3FB6];
	_ =	sdelay $0x3  }
0x33: {  	p0 =	seq.s32 s10, $0x1;
	s10 =	sld [smem:$0x3FB8];
	_ =	sdelay $0x3  }
0x34: {  	[smem:$0x3FB8] =	sst s10  }
0x35: {  	s10 =	sld [smem:$0x3FB7];
	_ =	sdelay $0x3  }
0x36: {  	p1 =	seq.s32 s10, $0x1;
	s10 =	sld [smem:$0x3FB8];
	_ =	sdelay $0x3  }
0x37: {  	[smem:$0x3FB8] =	sst s10  }
0x38: {  	s10 =	sld [smem:$0x3FB9]  }
0x39: {  	_ = 	snop;
	(pc) =	sbr.ind lr, $3  }
0x3a: {  	_ = 	snop  }
0x3b: {  	_ = 	snop  }
0x3c: {  	p2 =	seq.s32 s10, $0x1;
	s10 =	sld [smem:$0x3FB8]  }
0x3d: {  	_ =	shalt  }
0x3e: {  	_ =	shalt  }
0x3f: {  	_ =	shalt  }
0x40: {  	_ =	shalt  }
0x41: {  	_ =	shalt  }
0x42: {  	_ =	shalt  }
0x43: {  	_ =	shalt  }
0x44: {  	_ =	shalt  }
0x45: {  	_ =	shalt  }
0x46: {  	_ =	shalt  }
0x47: {  	_ =	shalt  }
0x48: {  	_ =	shalt  }
0x49: {  	_ =	shalt  }
0x4a: {  	_ =	shalt  }
0x4b: {  	_ =	shalt  }
0x4c: {  	_ =	shalt  }
0x4d: {  	_ =	shalt  }
0x4e: {  	_ =	shalt  }
0x4f: {  	_ =	shalt  }
0x50: {  	_ =	shalt  }
0x51: {  	_ =	shalt  }
0x52: {  	_ =	shalt  }
0x53: {  	_ =	shalt  }
0x54: {  	_ =	shalt  }
0x55: {  	_ =	shalt  }
0x56: {  	_ =	shalt  }
0x57: {  	_ =	shalt  }
0x58: {  	_ =	shalt  }
0x59: {  	_ =	shalt  }
0x5a: {  	_ =	shalt  }
0x5b: {  	_ =	shalt  }
0x5c: {  	_ =	shalt  }
0x5d: {  	_ =	shalt  }
0x5e: {  	_ =	shalt  }
0x5f: {  	_ =	shalt  }
0x60: {  	_ =	shalt  }
0x61: {  	_ =	shalt  }
0x62: {  	_ =	shalt  }
0x63: {  	_ =	shalt  }
0x64: {  	_ =	shalt  }
0x65: {  	_ =	shalt  }
0x66: {  	_ =	shalt  }
0x67: {  	_ =	shalt  }
0x68: {  	_ =	shalt  }
0x69: {  	_ =	shalt  }
0x6a: {  	_ =	shalt  }
0x6b: {  	_ =	shalt  }
0x6c: {  	_ =	shalt  }
0x6d: {  	_ =	shalt  }
0x6e: {  	_ =	shalt  }
0x6f: {  	_ =	shalt  }
0x70: {  	_ =	shalt  }
0x71: {  	_ =	shalt  }
0x72: {  	_ =	shalt  }
0x73: {  	_ =	shalt  }
0x74: {  	_ =	shalt  }
0x75: {  	_ =	shalt  }
0x76: {  	_ =	shalt  }
0x77: {  	_ =	shalt  }
0x78: {  	_ =	shalt  }
0x79: {  	_ =	shalt  }
0x7a: {  	_ =	shalt  }
0x7b: {  	_ =	shalt  }
0x7c: {  	_ =	shalt  }
0x7d: {  	_ =	shalt  }
0x7e: {  	_ =	shalt  }
0x7f: {  	_ =	shalt  }
0x80: {  	_ =	shalt  }
0x81: {  	_ =	shalt  }
0x82: {  	_ =	shalt  }
0x83: {  	_ =	shalt  }
0x84: {  	_ =	shalt  }
0x85: {  	_ =	shalt  }
0x86: {  	_ =	shalt  }
0x87: {  	_ =	shalt  }
.Lfunc_end0:
.L_simem_size_0:
called_computation_lowered:
.L_overlay_start_0:
0x88: {  	s2 =	sld [smem:$0x3FD9]  }
0x89: {  	s3 =	sld [smem:$0x3FFE];
	_ =	sdelay $0x1  }
0x8a: {  	s1 =	srdreg.scid  }
0x8b: {  	s0 =	sand.u32 $0x1, s1  }
0x8c: {  	s14 =	sshll.u32 s0, $0xA;
	s2 =	sadd.s32 s3, s2  }
0x8d: {  	s2 =	sadd.s32 s2, s14  }
0x8e: {  	[smem:$0x3FC4] =	sst s2  }
0x8f: {  	_ = 	snop  }
0x90: {  	s2 =	sld [smem:$0x3FD0];
	_ =	sdelay $0x1  }
0x91: {  	s15 =	sld [smem:$0x3FC9]  }
0x92: {  	s5 =	simm.s32 $0xA;
	s6 =	simm.s32 $0x10;
	s4 =	sld [smem:$0x3FC8]  }
0x93: {  	[smem:s6], [sflag:s5] =	dma.local [hbm:s2], $0x1  }
0x94: {  	_ =	swait.eq [sflag:s5], $0x1  }
0x95: {  	[sflag:s5] =	ssyncset.done $0x0  }
0x96: {  	s16 =	sld [smem:$0x10];
	[sflag:s5] =	ssyncadd.s32 $0xFFFFFFFF  }
0x97: {  	s17 =	sld [smem:$0x11];
	(tm) =	ssettm $0x1  }
0x98: {  	s18 =	sld [smem:$0x3FFB];
	_ =	sdelay $0x3  }
0x99: {  	_ =	strace s18  }
0x9a: {  	s6 =	sld [smem:$0x3FFC];
	_ =	sdelay $0x3  }
0x9b: {  	_ =	strace s6  }
0x9c: {  	s6 =	sld [smem:$0x3FFD];
	_ =	sdelay $0x3  }
0x9d: {  	_ =	strace s6  }
0x9e: {  	_ =	strace $0x8FFFFFFF  }
0x9f: {  	s19 =	sld [smem:$0x3FDB];
	_ =	sdelay $0x1  }
0xa0: {  	s7 =	simm.s32 $_scs_section_size  }
0xa1: {  	s8 =	simm.s32 $_size__tile_overlayer_lowered;
	s9 =	simm.s32 $_tile_overlayer_lowered  }
0xa2: {  	s22 =	simm.s32 $0x1BFF;
	s21 =	sshll.u32 s9, $0x1;
	s6 =	sadd.s32 s7, s19  }
0xa3: {  	s10 =	simm.s32 $0x0;
	s20 =	sshll.u32 s8, $0x1;
	s8 =	sadd.s32 s21, s6  }
0xa4: {  	[timem:s10], [sflag:s22] =	dma.local [hbm:s8], s20  }
0xa5: {  	_ =	swait.ge [sflag:s22], s20  }
0xa6: {  	s7 =	ssub.s32 $0x0, s20;
	[sflag:s22] =	ssyncset.done $0x0  }
0xa7: {  	[sflag:s22] =	ssyncadd.s32 s7;
	_ =	sdelay $0x1  }
0xa8: {  	s23 =	simm.s32 $0x1B8B  }
0xa9: {  	_ =	swait.ge [sflag:s23], $0x1  }
0xaa: {  	[sflag:s23] =	ssyncset.done $0x0  }
0xab: {  	s25 =	simm.s32 $0x1B8E;
	s24 =	sld [smem:$0x3FFE];
	[sflag:s23] =	ssyncadd.s32 $0xFFFFFFFF  }
0xac: {  	s26 =	simm.s32 $execute0_lowered;
	[smem:$0x3FD2] =	sst s25  }
0xad: {  	s8 =	sshll.u32 s26, $0x1;
	_ =	strace $0x80000046;
	[dreg:$0x1] =	wrdreg $0xFFFFFFFF  }
0xae: {  	s28 =	simm.s32 $_size_execute0_lowered;
	s6 =	sadd.s32 s6, s8;
	[dreg:$0x0] =	wrdreg $0x0  }
0xaf: {  	s8 =	sshll.u32 s28, $0x1;
	[dreg:$0x2] =	wrdreg s6  }
0xb0: {  	[dreg:$0x3] =	wrdreg s8  }
0xb1: {  	[dreg:$0x4] =	wrdreg $0xC0  }
0xb2: {  	_ =	task [dreg:s10], $0x5FFFF  }
0xb3: {  	[dreg:$0x1] =	wrdreg $0xFFFFFFFF  }
0xb4: {  	[dreg:$0x0] =	wrdreg $0x60  }
0xb5: {  	[dreg:$0x2] =	wrdreg s15  }
0xb6: {  	[dreg:$0x3] =	wrdreg s4  }
0xb7: {  	[dreg:$0x4] =	wrdreg s17  }
0xb8: {  	[dreg:$0x5] =	wrdreg s16  }
0xb9: {  	[dreg:$0x6] =	wrdreg s24  }
0xba: {  	[dreg:$0x7] =	wrdreg $0x9  }
0xbb: {  	_ =	task.clear_ibuf [dreg:s10], $0x8FFFF;
	_ =	strace $0x90000046  }
0xbc: {  	s29 =	simm.s32 $0x9;
	_ =	strace $0x80000048  }
0xbd: {  	_ =	swait.ge [sflag:s29], $0x1  }
0xbe: {  	[sflag:s29] =	ssyncadd.s32 $0xFFFFFFFF  }
0xbf: {  	_ =	strace $0x90000048  }
0xc0: {  	_ =	sfence  }
0xc1: {  	s30 =	sld [smem:$0x0];
	_ =	sdelay $0x2  }
0xc2: {  	s31 =	sshll.u32 s1, $0xD;
	s1 =	sshrl.u32 s1, $0x2  }
0xc3: {  	s3 =	sand.u32 $0x4000, s31;
	s1 =	sadd.s32 s1, s30  }
0xc4: {  	s0 =	sor.u32 s3, s0;
	s1 =	sshll.u32 s1, $0x11  }
0xc5: {  	s0 =	sor.u32 s1, s0  }
0xc6: {  	s0 =	sadd.s32 $0x8F2B, s0  }
0xc7: {  	[sflag:s0] =	ssyncadd.remote.s32 $0x1  }
0xc8: {  	_ =	sfence.sel $0xFFFF  }
0xc9: {  	[dreg:$0x0] =	wrdreg $0xFFFFFFFF;
	(pc) =	sbr.abs _section_cstart, $3  }
0xca: {  	[dreg:$0x1] =	wrdreg $0xFFFFFFFF  }
0xcb: {  	_ =	task.clear_ibuf [dreg:s10], $0x2FFFF;
	_ =	strace $0x9FFFFFFF  }
0xcc: {  	(tm) =	ssettm $0x7FFFFFFF  }
0xcd: {  	_ =	shalt  }
tec
execute0_lowered:
.L_overlay_start_1:
0x0: {  	(tag) =	ssettag $0x1  }
0x1: {  	s3 =	rddreg [dreg:$0x0]  }
0x2: {  	s4 =	rddreg [dreg:$0x1]  }
0x3: {  	s5 =	rddreg [dreg:$0x2]  }
0x4: {  	s1 =	srdreg.scid;
	s7 =	rddreg [dreg:$0x3]  }
0x5: {  	s0 =	stileid.u32;
	s8 =	rddreg [dreg:$0x4];
	s2 =	simm.s32 $0x0  }
0x6: {  	s12 =	simm.s32 $0x1400;
	s13 =	simm.s32 $0x140;
	s14 =	simm.s32 $0x2710  }
0x7: {  	s15 =	simm.s32 $0x2800;
	s16 =	simm.s32 $0x2BC0;
	s17 =	simm.s32 $0x3  }
0x8: {  	s18 =	simm.s32 $0x1;
	s6 =	sand.u32 $0x1, s1;
	s31 =	sshll.u32 s0, $0x1  }
0x9: {  	s19 =	simm.s32 $0x2F80;
	s20 =	simm.s32 $0x5;
	s1 =	sor.u32 s6, s31  }
0xa: {  	s21 =	simm.s32 $0x4;
	s22 =	simm.s32 $0x2;
	s9 =	smul.u32 $0x140, s1  }
0xb: {  	s23 =	simm.s32 $0x3340;
	s24 =	simm.s32 $0x0;
	[smem:$0x7FF] =	sst s2  }
0xc: {  	_ =	strace $0x80000047;
	s6 =	ssub.s32 $0x2, s6;
	s9 =	smin.u32 s9, $0x25D0  }
0xd: {  	s11 =	sshrl.u32 s6, $0x1;
	s10 =	sshll.u32 s9, $0x4;
	s9 =	sshrl.u32 s9, $0x3  }
0xe: {  	s11 =	ssub.s32 s6, s11;
	s10 =	sor.u32 $0xE, s10;
	s8 =	sadd.s32 s9, s8  }
0xf: {  	s5 =	sadd.s32 s5, s9;
	s6 =	sadd.s32 s7, s9;
	s9 =	smax.u32 s11, $0x1  }
0x10: {  	v0 =	vlaneseq.u32;
	s11 =	simm.s32 $0x80;
	s3 =	sadd.s32 s3, s10;
	s4 =	sadd.s32 s4, s10  }
0x11: {  	v1 =	vimm.f32 $0.0e+00;
	v0 =	vmul.u32 $0x10, v0;
	s7 =	sadd.s32 $0x1800, s8;
	s8 =	sadd.s32 $0x800, s8;
	s10 =	simm.s32 $0x10  }
.LBB2_1:
0x12: {  	[tilespmem:s2], [sflag:$0x1] =	stream.strided.gather [hbm4b:s3+s10], $0x1400, s11, s10, $0x38;
	[tilespmem:$0x3700] =	vst v63  }
0x13: {  	_ = 	snop  }
0x14: {  	[tilespmem:s12], [sflag:$0x2] =	stream.strided.gather [hbm4b:s4+s10], $0x1400, s11, s10, $0x38;
	[tilespmem:$0x3700] =	vst v63  }
0x15: {  	_ = 	snop  }
0x16: {  	[tilespmem:s15], [sflag:$0x3] =	stream.strided.gather [hbm4b:s5+s13], $0x3C0, s14, s13, $0x38;
	[tilespmem:$0x3700] =	vst v63  }
0x17: {  	_ = 	snop  }
0x18: {  	[tilespmem:s16], [sflag:$0x4] =	stream.strided.gather [hbm4b:s6+s13], $0x3C0, s14, s13, $0x38;
	[tilespmem:$0x3700] =	vst v63  }
0x19: {  	_ =	swait.ge [sflag:s17], $0x3C0  }
0x1a: {  	[sflag:s17] =	ssyncset.done $0x0  }
0x1b: {  	[sflag:s17] =	ssyncadd.s32 $0xFFFFFC40  }
0x1c: {  	_ =	swait.ge [sflag:s18], $0x1400  }
0x1d: {  	[sflag:s18] =	ssyncset.done $0x0  }
0x1e: {  	s25 =	simm.s32 $0x2960;
	s26 =	simm.s32 $0x10;
	[sflag:s18] =	ssyncadd.s32 $0xFFFFEC00  }
0x1f: {  	v2 =	vmov s26;
	v9 =	vld [tilespmem:s25+$0xFFFFFEA0]  }
0x20: {  	v2 =	vshll.u32 v2, $0x4;
	v17 =	vld [tilespmem:s25+$0x150]  }
0x21: {  	s1 =	simm.s32 $0x30;
	v2 =	vor.u32 v0, v2;
	v22 =	vld [tilespmem:s25+$0x130]  }
0x22: {  	v4 =	vmov s1;
	v3 =	vor.u32 $0xF, v2;
	v12 =	vld [tilespmem:s25+$0x120]  }
0x23: {  	v4 =	vshll.u32 v4, $0x4;
	v19 =	vld [tilespmem:s25+$0x140]  }
0x24: {  	v4 =	vor.u32 v0, v4;
	v11 =	vld [tilespmem:s25+$0xFFFFFFE0]  }
0x25: {  	v5 =	vor.u32 $0xD, v4;
	v18 =	vld [tilespmem:s25+$0xFFFFFED0]  }
0x26: {  	v20 =	vld [tilespmem:s25+$0xFFFFFFF0]  }
0x27: {  	v2 =	vor.u32 $0xD, v2;
	v3 =	vld.idx.msk [tilespmem:v3+s2+$0x0], $0xffff  }
0x28: {  	v23 =	vld [tilespmem:s25+$0x10]  }
0x29: {  	v4 =	vor.u32 $0xF, v4;
	v26 =	vld [tilespmem:s25+$0xFFFFFEC0]  }
0x2a: {  	s31 =	simm.s32 $0x20;
	v5 =	vld.idx.msk [tilespmem:v5+s2+$0x0], $0xffff;
	v7 =	vmul.f32 v9, v9  }
0x2b: {  	v6 =	vmov s31;
	v25 =	vld [tilespmem:s25+$0xFFFFFEB0];
	v8 =	vmul.f32 v11, v11;
	v13 =	vmul.f32 v17, v17  }
0x2c: {  	v6 =	vshll.u32 v6, $0x4;
	v2 =	vld.idx.msk [tilespmem:v2+s2+$0x0], $0xffff;
	v14 =	vmul.f32 v19, v19;
	v15 =	vmul.f32 v22, v22  }
0x2d: {  	v10 =	vor.u32 v0, v6;
	v24 =	vld [tilespmem:s25+$0x0];
	v16 =	vmul.f32 v20, v20;
	v21 =	vmul.f32 v18, v18  }
0x2e: {  	v4 =	vld.idx.msk [tilespmem:v4+s2+$0x0], $0xffff;
	vm1 =	vgt.f32 v3, $0.0e+00;
	v27 =	vmul.f32 v23, v23;
	v28 =	vmul.f32 v26, v26  }
0x2f: {  	vm2 =	vlt.f32 v3, $0.0e+00;
	vm0 =	vlt.f32 v5, $0.0e+00;
	vm3 =	vgt.f32 v5, $0.0e+00  }
0x30: {  	v6 =	vadd.f32 v8, v7;
	v7 =	vmul.f32 v12, v12;
	v8 =	vor.u32 $0xF, v10  }
0x31: {  	vm4 =	vlt.f32 v2, $0.0e+00;
	v5 =	vmul.f32 v25, v25;
	vm3 =	vmor vm3, vm0  }
0x32: {  	v10 =	vor.u32 $0xD, v10;
	v6 =	vadd.f32 v7, v6;
	v7 =	vmul.f32 v24, v24  }
0x33: {  	vm1 =	vmor vm1, vm2;
	vm2 =	vgt.f32 v4, $0.0e+00;
	v5 =	vadd.f32 v16, v5  }
0x34: {  	v16 =	vmov s2;
	v6 =	vmax.f32 v6, $1.000000020e-24;
	v7 =	vadd.f32 v7, v28  }
0x35: {  	v3 =	vshrl.u32 v6, $0x1;
	v30 =	vmul.f32 $5.000000000e-01, v6;
	v8 =	vld.idx.msk [tilespmem:v8+s2+$0x0], $0xffff;
	v6 =	vadd.f32 v27, v21  }
0x36: {  	v29 =	vsel vm3, $0xC1200000, v1;
	v15 =	vadd.f32 v15, v5;
	v7 =	vadd.f32 v14, v7  }
0x37: {  	v5 =	vsel vm1, $0xC1200000, v1;
	v35 =	vld.idx.msk [tilespmem:v10+s2+$0x0], $0xffff;
	v3 =	vsub.s32 $0x5F3759DF, v3;
	v6 =	vadd.f32 v13, v6  }
0x38: {  	vm1 =	vgt.f32 v2, $0.0e+00;
	v13 =	vmul.f32 v3, v30;
	v7 =	vmax.f32 v7, $1.000000020e-24  }
0x39: {  	vm1 =	vmor vm1, vm4;
	v6 =	vmax.f32 v6, $1.000000020e-24;
	v14 =	vshrl.u32 v7, $0x1  }
0x3a: {  	v13 =	vmul.f32 v3, v13;
	v33 =	vmul.f32 $5.000000000e-01, v7;
	vm0 =	vgt.f32 v8, $0.0e+00  }
0x3b: {  	v21 =	vmul.f32 $5.000000000e-01, v6;
	v27 =	vsub.s32 $0x5F3759DF, v14;
	v14 =	vshll.u32 v16, $0x4  }
0x3c: {  	v6 =	vshrl.u32 v6, $0x1;
	vm3 =	vgt.f32 v35, $0.0e+00;
	vm14 =	vlt.f32 v35, $0.0e+00  }
0x3d: {  	v14 =	vor.u32 v0, v14;
	v28 =	vsub.s32 $0x5F3759DF, v6;
	v6 =	vmax.f32 v15, $1.000000020e-24  }
0x3e: {  	v13 =	vsub.f32 $1.500000000e+00, v13;
	vm5 =	vmor vm3, vm14;
	v16 =	vor.u32 $0xF, v14  }
0x3f: {  	v2 =	vshrl.u32 v6, $0x1;
	v15 =	vmul.f32 $5.000000000e-01, v6;
	v32 =	vmul.f32 v28, v21  }
0x40: {  	v6 =	vsel vm1, $0xC1200000, v1;
	vm1 =	vlt.f32 v4, $0.0e+00;
	v2 =	vsub.s32 $0x5F3759DF, v2  }
0x41: {  	s25 =	simm.s32 $0x29A0;
	v3 =	vmul.f32 v3, v13;
	vm2 =	vmor vm2, vm1;
	vm1 =	vlt.f32 v8, $0.0e+00  }
0x42: {  	s1 =	simm.s32 $0x50;
	v14 =	vor.u32 $0xD, v14;
	v8 =	vld [tilespmem:s25+$0xFFFFFEA0];
	v31 =	vmul.f32 v2, v15;
	vm1 =	vmor vm0, vm1  }
0x43: {  	v32 =	vmul.f32 v28, v32;
	v13 =	vmul.f32 v3, v30;
	v30 =	vmov s1  }
0x44: {  	s31 =	simm.s32 $0x70;
	v4 =	vmul.f32 v2, v31;
	v31 =	vsel vm2, $0xC1200000, v1;
	v10 =	vshll.u32 v30, $0x4  }
0x45: {  	v30 =	vmov s31;
	v32 =	vsub.f32 $1.500000000e+00, v32;
	v13 =	vmul.f32 v13, v3  }
0x46: {  	v7 =	vld.idx.msk [tilespmem:v16+s2+$0x0], $0xffff;
	v10 =	vor.u32 v0, v10;
	v16 =	vsub.f32 $1.500000000e+00, v4;
	v4 =	vmul.f32 v27, v33  }
0x47: {  	v14 =	vld.idx.msk [tilespmem:v14+s2+$0x0], $0xffff;
	v37 =	vmul.f32 v8, v8;
	v38 =	vor.u32 $0xD, v10;
	v39 =	vor.u32 $0xF, v10  }
0x48: {  	v10 =	vshll.u32 v30, $0x4;
	v28 =	vmul.f32 v28, v32;
	v13 =	vsub.f32 $1.500000000e+00, v13  }
0x49: {  	v34 =	vmul.f32 v27, v4;
	v36 =	vmul.f32 v2, v16;
	v16 =	vor.u32 v0, v10  }
0x4a: {  	v4 =	vld [tilespmem:s25+$0x150];
	v21 =	vmul.f32 v28, v21;
	v13 =	vmul.f32 v13, v3;
	v30 =	vor.u32 $0xD, v16  }
0x4b: {  	v2 =	vld [tilespmem:s25+$0x130];
	v40 =	vor.u32 $0xF, v16;
	v16 =	vsel vm1, $0xC1200000, v1;
	vm0 =	vlt.f32 v7, $0.0e+00  }
0x4c: {  	v10 =	vld [tilespmem:s25+$0x120];
	vm2 =	vgt.f32 v7, $0.0e+00;
	v7 =	vmul.f32 v36, v15;
	vm1 =	vlt.f32 v14, $0.0e+00  }
0x4d: {  	s1 =	simm.s32 $0x60;
	v3 =	vld [tilespmem:s25+$0x140];
	v34 =	vsub.f32 $1.500000000e+00, v34;
	v21 =	vmul.f32 v21, v28;
	v41 =	vmul.f32 $1.000000000e+01, v13  }
0x4e: {  	v15 =	vld [tilespmem:s25+$0xFFFFFFE0];
	vm0 =	vmor vm2, vm0;
	v13 =	vmov s1;
	vm2 =	vgt.f32 v14, $0.0e+00  }
0x4f: {  	v61 =	vld.idx.msk [tilespmem:v39+s2+$0x0], $0xffff;
	v42 =	vmul.f32 v7, v36;
	v13 =	vshll.u32 v13, $0x4;
	vm1 =	vmor vm2, vm1  }
0x50: {  	v7 =	vld [tilespmem:s25+$0xFFFFFFF0];
	v21 =	vsub.f32 $1.500000000e+00, v21;
	v34 =	vmul.f32 v27, v34;
	v43 =	vmul.f32 v4, v4  }
0x51: {  	v55 =	vsel vm0, $0xC1200000, v1;
	v44 =	vmul.f32 v41, v11;
	v11 =	vld [tilespmem:s25+$0xFFFFFED0];
	v45 =	vmul.f32 v41, v9  }
0x52: {  	v9 =	vld [tilespmem:s25+$0x0];
	v39 =	vmul.f32 v2, v2;
	v47 =	vor.u32 v0, v13;
	v41 =	vmul.f32 v41, v12  }
0x53: {  	v13 =	vld [tilespmem:s25+$0x10];
	v46 =	vmul.f32 v3, v3;
	v48 =	vor.u32 $0xF, v47;
	v21 =	vmul.f32 v21, v28  }
0x54: {  	v33 =	vmul.f32 v34, v33;
	v60 =	vsub.f32 $1.500000000e+00, v42;
	v14 =	vmul.f32 v15, v15  }
0x55: {  	v30 =	vld.idx.msk [tilespmem:v30+s2+$0x0], $0xffff;
	v41 =	vadd.f32 v41, v55;
	vm3 =	vgt.f32 v61, $0.0e+00;
	v59 =	vmul.f32 $1.000000000e+01, v21  }
0x56: {  	v38 =	vld.idx.msk [tilespmem:v38+s2+$0x0], $0xffff;
	vm15 =	vlt.f32 v61, $0.0e+00;
	v54 =	vmul.f32 v33, v34;
	v62 =	vmul.f32 v7, v7  }
0x57: {  	v12 =	vadd.f32 v14, v37;
	v14 =	vmul.f32 v10, v10;
	v63 =	vmul.f32 v9, v9  }
0x58: {  	vm3 =	vmor vm3, vm15;
	v50 =	vmul.f32 v11, v11;
	v51 =	vmul.f32 v13, v13  }
0x59: {  	v55 =	vld.idx.msk [tilespmem:v40+s2+$0x0], $0xffff;
	v61 =	vmul.f32 v59, v18;
	v17 =	vmul.f32 v59, v17;
	v49 =	vadd.f32 v14, v12  }
0x5a: {  	vm0 =	vlt.f32 v30, $0.0e+00;
	vm2 =	vgt.f32 v30, $0.0e+00;
	v30 =	vsel vm1, $0xC1200000, v1  }
0x5b: {  	v14 =	vld [tilespmem:s25+$0xFFFFFEC0];
	vm1 =	vlt.f32 v38, $0.0e+00;
	v57 =	vadd.f32 v51, v50;
	v50 =	vsel vm5, $0xC1200000, v1  }
0x5c: {  	v12 =	vld [tilespmem:s25+$0xFFFFFEB0];
	vm2 =	vmor vm2, vm0;
	v45 =	vadd.f32 v45, v30;
	v30 =	vmul.f32 v60, v36  }
0x5d: {  	v48 =	vld.idx.msk [tilespmem:v48+s2+$0x0], $0xffff;
	v60 =	vadd.f32 v17, v31;
	v31 =	vor.u32 $0xD, v47;
	v49 =	vmax.f32 v49, $1.000000020e-24  }
0x5e: {  	v17 =	vsel vm2, $0xC1200000, v1;
	vm2 =	vgt.f32 v55, $0.0e+00;
	v56 =	vshrl.u32 v49, $0x1  }
0x5f: {  	v49 =	vmul.f32 $5.000000000e-01, v49;
	v32 =	vadd.f32 v43, v57;
	v52 =	vsub.s32 $0x5F3759DF, v56  }
0x60: {  	v56 =	vmul.f32 $1.000000000e+01, v30;
	v30 =	vsub.f32 $1.500000000e+00, v54;
	v27 =	vmul.f32 v14, v14  }
0x61: {  	v58 =	vmul.f32 v12, v12;
	v28 =	vmul.f32 v52, v49;
	v32 =	vmax.f32 v32, $1.000000020e-24  }
0x62: {  	vm0 =	vgt.f32 v48, $0.0e+00;
	v21 =	vmul.f32 $5.000000000e-01, v32;
	v34 =	vmul.f32 v30, v34  }
0x63: {  	s31 =	simm.s32 $0x40;
	v20 =	vmul.f32 v56, v20;
	v27 =	vadd.f32 v63, v27;
	v35 =	vadd.f32 v62, v58  }
0x64: {  	v62 =	vmul.f32 v59, v23;
	v63 =	vmul.f32 v52, v28;
	v23 =	vmov s31  }
0x65: {  	v28 =	vsel vm3, $0xC1200000, v1;
	vm3 =	vgt.f32 v38, $0.0e+00;
	v59 =	vadd.f32 v61, v29  }
0x66: {  	v23 =	vshll.u32 v23, $0x4;
	vm1 =	vmor vm3, vm1;
	v34 =	vmul.f32 $1.000000000e+01, v34  }
0x67: {  	v27 =	vadd.f32 v46, v27;
	v53 =	vor.u32 v0, v23;
	v23 =	vadd.f32 v39, v35  }
0x68: {  	v29 =	vsel vm1, $0xC1200000, v1;
	vm1 =	vlt.f32 v55, $0.0e+00;
	v35 =	vmul.f32 v56, v22  }
0x69: {  	s25 =	simm.s32 $0x30E0;
	v61 =	vsub.f32 $1.500000000e+00, v63;
	v57 =	vor.u32 $0xF, v53;
	v26 =	vmul.f32 v34, v26  }
0x6a: {  	[tilespmem:s25+$0x10] =	vst v62;
	vm1 =	vmor vm2, vm1;
	v62 =	vmul.f32 v34, v24;
	v23 =	vmax.f32 v23, $1.000000020e-24  }
0x6b: {  	[tilespmem:s25+$0xFFFFFFE0] =	vst v44;
	v24 =	vmul.f32 v56, v25;
	v58 =	vshrl.u32 v23, $0x1;
	v30 =	vmul.f32 $5.000000000e-01, v23  }
0x6c: {  	[tilespmem:s25+$0x120] =	vst v41;
	vm2 =	vlt.f32 v48, $0.0e+00;
	v37 =	vmul.f32 v34, v19;
	v33 =	vsub.s32 $0x5F3759DF, v58  }
0x6d: {  	[tilespmem:s25+$0xFFFFFEA0] =	vst v45;
	v42 =	vmax.f32 v27, $1.000000020e-24;
	v27 =	vshrl.u32 v32, $0x1;
	v22 =	vmul.f32 v33, v30  }
0x6e: {  	[tilespmem:s25+$0x150] =	vst v60;
	v25 =	vmul.f32 v52, v61;
	vm0 =	vmor vm0, vm2;
	v18 =	vshrl.u32 v42, $0x1  }
0x6f: {  	[tilespmem:s25+$0xFFFFFED0] =	vst v59;
	v27 =	vsub.s32 $0x5F3759DF, v27;
	v63 =	vadd.f32 v26, v50;
	v34 =	vld.idx.msk [tilespmem:v57+s2+$0x0], $0xffff;
	v22 =	vmul.f32 v33, v22  }
0x70: {  	s28 =	simm.s32 $0x80;
	v23 =	vmul.f32 $5.000000000e-01, v42;
	[tilespmem:s25+$0x0] =	vst v62;
	v26 =	vor.u32 $0xD, v53;
	v18 =	vsub.s32 $0x5F3759DF, v18  }
0x71: {  	s29 =	simm.s32 $0x3120;
	s30 =	simm.s32 $0x29E0;
	s26 =	simm.s32 $0x3120;
	v32 =	vmul.f32 v27, v21;
	v38 =	vmul.f32 v25, v49;
	[tilespmem:s25+$0xFFFFFEC0] =	vst v63;
	v36 =	vsub.f32 $1.500000000e+00, v22  }
.LBB2_2:
0x72: {  	p0 =	slt.u32 s28, $0x100  }
0x73: {  	v39 =	vld [tilespmem:s30+$0xFFFFFEA0];
	v22 =	vmul.f32 v18, v23;
	v19 =	vsel vm1, $0xC1200000, v1;
	s29 =	sadd.s32 $0x40, s29;
	v35 =	vadd.f32 v35, v5;
	v5 =	vmovc v28;
	s31 =	smov.u32 s28;
	s28 =	sadd.s32 $0x40, s28  }
0x74: {  	vm1 =	vlt.f32 v34, $0.0e+00;
	v16 =	vadd.f32 v37, v16;
	s1 =	sadd.s32 $0x10, s31;
	v38 =	vmul.f32 v38, v25;
	v40 =	vld.idx.msk [tilespmem:v31+s2+$0x0], $0xffff;
	[tilespmem:s25+$0xFFFFFFF0] =	vst v20  }
0x75: {  	v20 =	vmov s1;
	v28 =	vld [tilespmem:s30+$0x150];
	s1 =	sadd.s32 $0x30, s31;
	v37 =	vmul.f32 v18, v22;
	v22 =	vadd.f32 v24, v6;
	[tilespmem:s25+$0x130] =	vst v35;
	v6 =	vmovc v29  }
0x76: {  	v32 =	vmul.f32 v27, v32;
	v24 =	vld [tilespmem:s30+$0x130];
	v20 =	vshll.u32 v20, $0x4;
	v31 =	vmov s1;
	[tilespmem:s25+$0x140] =	vst v16  }
0x77: {  	v29 =	vmul.f32 v33, v36;
	v38 =	vsub.f32 $1.500000000e+00, v38;
	v35 =	vld [tilespmem:s30+$0x120];
	v16 =	vor.u32 v0, v20;
	[tilespmem:s25+$0xFFFFFEB0] =	vst v22;
	s25 =	smov.u32 s26;
	s26 =	smov.u32 s29  }
0x78: {  	v32 =	vsub.f32 $1.500000000e+00, v32;
	v33 =	vmul.f32 v39, v39;
	v36 =	vor.u32 $0xD, v16;
	v41 =	vld.idx.msk [tilespmem:v26+s2+$0x0], $0xffff  }
0x79: {  	v42 =	vor.u32 $0xF, v16;
	v16 =	vshll.u32 v31, $0x4;
	v25 =	vmul.f32 v38, v25;
	v20 =	vld [tilespmem:s30+$0x140]  }
0x7a: {  	vm2 =	vgt.f32 v34, $0.0e+00;
	v26 =	vmul.f32 v29, v30;
	v16 =	vor.u32 v0, v16;
	v38 =	vld [tilespmem:s30+$0xFFFFFED0]  }
0x7b: {  	v30 =	vor.u32 $0xD, v16;
	v34 =	vor.u32 $0xF, v16;
	v43 =	vmul.f32 $1.000000000e+01, v25;
	v22 =	vld [tilespmem:s30+$0xFFFFFFF0]  }
0x7c: {  	vm1 =	vmor vm2, vm1;
	s1 =	sadd.s32 $0x20, s31;
	v45 =	vmul.f32 v26, v29;
	v16 =	vsel vm0, $0xC1200000, v1;
	v44 =	vld [tilespmem:s30+$0xFFFFFFE0]  }
0x7d: {  	v31 =	vmov s1;
	v46 =	vmul.f32 v28, v28;
	v15 =	vmul.f32 v43, v15;
	v25 =	vld [tilespmem:s30+$0xFFFFFEB0]  }
0x7e: {  	v31 =	vshll.u32 v31, $0x4;
	v47 =	vmul.f32 v43, v8;
	v8 =	vmovc v39;
	vm2 =	vlt.f32 v41, $0.0e+00;
	v26 =	vld [tilespmem:s30+$0x0]  }
0x7f: {  	v27 =	vmul.f32 v27, v32;
	vm4 =	vgt.f32 v41, $0.0e+00;
	v39 =	vld.idx.msk [tilespmem:v42+s2+$0x0], $0xffff;
	v42 =	vmul.f32 v20, v20;
	[tilespmem:s25+$0xFFFFFFE0] =	vst v15  }
0x80: {  	v31 =	vor.u32 v0, v31;
	vm0 =	vgt.f32 v40, $0.0e+00;
	v32 =	vmul.f32 v24, v24;
	v41 =	vld [tilespmem:s30+$0x10]  }
0x81: {  	vm3 =	vlt.f32 v40, $0.0e+00;
	v21 =	vmul.f32 v27, v21;
	v48 =	vmul.f32 v44, v44;
	v15 =	vmovc v44  }
0x82: {  	vm0 =	vmor vm0, vm3;
	v43 =	vmul.f32 v43, v10;
	v10 =	vmovc v35;
	v40 =	vmul.f32 v22, v22;
	v36 =	vld.idx.msk [tilespmem:v36+s2+$0x0], $0xffff  }
0x83: {  	v37 =	vsub.f32 $1.500000000e+00, v37;
	v35 =	vmul.f32 v35, v10;
	v33 =	vadd.f32 v48, v33;
	v30 =	vld.idx.msk [tilespmem:v30+s2+$0x0], $0xffff  }
0x84: {  	v21 =	vmul.f32 v21, v27;
	v44 =	vmul.f32 v26, v26;
	v48 =	vor.u32 $0xF, v31  }
0x85: {  	vm3 =	vgt.f32 v39, $0.0e+00;
	v33 =	vadd.f32 v35, v33;
	v49 =	vld [tilespmem:s30+$0xFFFFFEC0];
	v35 =	vmul.f32 v38, v38  }
0x86: {  	v21 =	vsub.f32 $1.500000000e+00, v21;
	vm2 =	vmor vm4, vm2;
	v50 =	vmul.f32 v41, v41  }
0x87: {  	vm4 =	vlt.f32 v39, $0.0e+00;
	v39 =	vsel vm1, $0xC1200000, v1;
	v33 =	vmax.f32 v33, $1.000000020e-24  }
0x88: {  	v51 =	vshrl.u32 v33, $0x1;
	v52 =	vmul.f32 $5.000000000e-01, v33;
	v33 =	vadd.f32 v43, v39  }
0x89: {  	vm5 =	vlt.f32 v30, $0.0e+00;
	vm6 =	vgt.f32 v30, $0.0e+00;
	v30 =	vsel vm2, $0xC1200000, v1;
	v39 =	vld.idx.msk [tilespmem:v48+s2+$0x0], $0xffff  }
0x8a: {  	vm1 =	vlt.f32 v36, $0.0e+00;
	v43 =	vmul.f32 v49, v49;
	[tilespmem:s25+$0x120] =	vst v33;
	v33 =	vmul.f32 v18, v37  }
0x8b: {  	v48 =	vsel vm0, $0xC1200000, v1;
	v37 =	vsub.s32 $0x5F3759DF, v51;
	v18 =	vadd.f32 v50, v35  }
0x8c: {  	v21 =	vmul.f32 v21, v27;
	v35 =	vmul.f32 v25, v25;
	v43 =	vadd.f32 v44, v43  }
0x8d: {  	v27 =	vmul.f32 v37, v52;
	v18 =	vadd.f32 v46, v18;
	v23 =	vmul.f32 v33, v23  }
0x8e: {  	vm2 =	vmor vm6, vm5;
	v42 =	vadd.f32 v42, v43;
	v43 =	vmul.f32 $1.000000000e+01, v21  }
0x8f: {  	v35 =	vadd.f32 v40, v35;
	v44 =	vsub.f32 $1.500000000e+00, v45;
	v40 =	vmax.f32 v18, $1.000000020e-24  }
0x90: {  	vm0 =	vgt.f32 v39, $0.0e+00;
	v42 =	vmax.f32 v42, $1.000000020e-24;
	v45 =	vmul.f32 v43, v11;
	v11 =	vmovc v38  }
0x91: {  	v21 =	vmul.f32 $5.000000000e-01, v40;
	v38 =	vmul.f32 v43, v13;
	v13 =	vmovc v41;
	v18 =	vshrl.u32 v42, $0x1  }
0x92: {  	vm3 =	vmor vm3, vm4;
	v41 =	vmul.f32 v43, v4;
	v4 =	vmovc v28;
	v18 =	vsub.s32 $0x5F3759DF, v18  }
0x93: {  	v43 =	vmul.f32 v37, v27;
	v27 =	vmov s31;
	v28 =	vadd.f32 v47, v30;
	[tilespmem:s25+$0x10] =	vst v38  }
0x94: {  	v29 =	vmul.f32 v44, v29;
	v30 =	vshrl.u32 v40, $0x1;
	v27 =	vshll.u32 v27, $0x4;
	v34 =	vld.idx.msk [tilespmem:v34+s2+$0x0], $0xffff  }
0x95: {  	v32 =	vadd.f32 v32, v35;
	v23 =	vmul.f32 v23, v33;
	v38 =	vor.u32 v0, v27;
	[tilespmem:s25+$0xFFFFFEA0] =	vst v28  }
0x96: {  	v40 =	vmul.f32 $1.000000000e+01, v29;
	v27 =	vsub.s32 $0x5F3759DF, v30;
	v28 =	vsel vm3, $0xC1200000, v1  }
0x97: {  	v29 =	vmax.f32 v32, $1.000000020e-24;
	v23 =	vsub.f32 $1.500000000e+00, v23;
	v44 =	vor.u32 $0xF, v38  }
0x98: {  	v35 =	vshrl.u32 v29, $0x1;
	v17 =	vadd.f32 v45, v17;
	vm3 =	vgt.f32 v36, $0.0e+00  }
0x99: {  	v23 =	vmul.f32 v23, v33;
	v32 =	vmul.f32 v27, v21;
	vm1 =	vmor vm3, vm1  }
0x9a: {  	v19 =	vadd.f32 v41, v19;
	v30 =	vmul.f32 $5.000000000e-01, v29;
	v29 =	vsel vm1, $0xC1200000, v1;
	[tilespmem:s25+$0xFFFFFED0] =	vst v17  }
0x9b: {  	v33 =	vsub.s32 $0x5F3759DF, v35;
	v41 =	vmul.f32 $1.000000000e+01, v23;
	vm1 =	vlt.f32 v34, $0.0e+00  }
0x9c: {  	v35 =	vmul.f32 v40, v2;
	v2 =	vmovc v24;
	v23 =	vmul.f32 $5.000000000e-01, v42;
	v17 =	vsel vm2, $0xC1200000, v1;
	[tilespmem:s25+$0x150] =	vst v19  }
0x9d: {  	v36 =	vmul.f32 v41, v14;
	v14 =	vmovc v49;
	vm2 =	vgt.f32 v34, $0.0e+00;
	v19 =	vmul.f32 v33, v30  }
.Ltmp0:
0x9e: {  	v42 =	vsub.f32 $1.500000000e+00, v43;
	v43 =	vmul.f32 v41, v9;
	v9 =	vmovc v26;
	vm1 =	vmor vm2, vm1;
	v34 =	vld.idx.msk [tilespmem:v44+s2+$0x0], $0xffff;
	(pc) =	sbr.rel @p0 .LBB2_2-.Ltmp0, $4  }
0x9f: {  	v31 =	vor.u32 $0xD, v31;
	v24 =	vmul.f32 v40, v12;
	v12 =	vmovc v25;
	v19 =	vmul.f32 v33, v19  }
0xa0: {  	v25 =	vmul.f32 v37, v42;
	vm2 =	vlt.f32 v39, $0.0e+00;
	v39 =	vadd.f32 v36, v48;
	[tilespmem:s25+$0x0] =	vst v43  }
0xa1: {  	v26 =	vor.u32 $0xD, v38;
	v37 =	vmul.f32 v41, v3;
	v3 =	vmovc v20;
	v36 =	vsub.f32 $1.500000000e+00, v19  }
0xa2: {  	s30 =	sadd.s32 $0x40, s30;
	v20 =	vmul.f32 v40, v7;
	v7 =	vmovc v22;
	v38 =	vmul.f32 v25, v52;
	vm0 =	vmor vm0, vm2;
	[tilespmem:s25+$0xFFFFFEC0] =	vst v39  }
0xa3: {  	v19 =	vmul.f32 v27, v32;
	_ =	sdelay $0x1  }
0xa4: {  	v19 =	vsub.f32 $1.500000000e+00, v19  }
0xa5: {  	v22 =	vmul.f32 v18, v23;
	v54 =	vmul.f32 v38, v25  }
0xa6: {  	v19 =	vmul.f32 v27, v19  }
0xa7: {  	v55 =	vmul.f32 v33, v36;
	v22 =	vmul.f32 v18, v22;
	v27 =	vsub.f32 $1.500000000e+00, v54  }
0xa8: {  	v5 =	vadd.f32 v35, v5;
	vm2 =	vlt.f32 v34, $0.0e+00;
	v26 =	vld.idx.msk [tilespmem:v26+s2+$0x0], $0xffff;
	v21 =	vmul.f32 v19, v21  }
0xa9: {  	v6 =	vadd.f32 v24, v6;
	v22 =	vsub.f32 $1.500000000e+00, v22;
	v25 =	vmul.f32 v27, v25  }
0xaa: {  	vm3 =	vgt.f32 v34, $0.0e+00;
	v27 =	vmul.f32 v55, v30;
	v21 =	vmul.f32 v21, v19  }
0xab: {  	vm2 =	vmor vm3, vm2;
	v18 =	vmul.f32 v18, v22;
	v22 =	vmul.f32 $1.000000000e+01, v25  }
0xac: {  	[tilespmem:s25+$0x130] =	vst v5;
	v5 =	vsel vm2, $0xC1200000, v1;
	v24 =	vmul.f32 v27, v55;
	v21 =	vsub.f32 $1.500000000e+00, v21  }
0xad: {  	vm3 =	vlt.f32 v26, $0.0e+00;
	v23 =	vmul.f32 v18, v23;
	v15 =	vmul.f32 v22, v15  }
0xae: {  	vm4 =	vgt.f32 v26, $0.0e+00;
	v10 =	vmul.f32 v22, v10;
	v19 =	vmul.f32 v21, v19  }
0xaf: {  	[tilespmem:s25+$0xFFFFFFF0] =	vst v20;
	v30 =	vld.idx.msk [tilespmem:v31+s2+$0x0], $0xffff;
	vm3 =	vmor vm4, vm3;
	v8 =	vmul.f32 v22, v8;
	v21 =	vmul.f32 v23, v18  }
0xb0: {  	[tilespmem:s25+$0xFFFFFEB0] =	vst v6;
	v6 =	vsub.f32 $1.500000000e+00, v24;
	v5 =	vadd.f32 v10, v5;
	v19 =	vmul.f32 $1.000000000e+01, v19  }
0xb1: {  	[tilespmem:s26+$0xFFFFFFE0] =	vst v15;
	v15 =	vsel vm3, $0xC1200000, v1;
	v20 =	vsub.f32 $1.500000000e+00, v21  }
0xb2: {  	v6 =	vmul.f32 v6, v55;
	[tilespmem:s26+$0x120] =	vst v5;
	v5 =	vadd.f32 v8, v15;
	v10 =	vmul.f32 v19, v11  }
0xb3: {  	v16 =	vadd.f32 v37, v16;
	v11 =	vmul.f32 v20, v18;
	v13 =	vmul.f32 v19, v13  }
0xb4: {  	vm5 =	vgt.f32 v30, $0.0e+00;
	v4 =	vmul.f32 v19, v4;
	[tilespmem:s26+$0xFFFFFEA0] =	vst v5;
	v5 =	vmul.f32 $1.000000000e+01, v6  }
0xb5: {  	[tilespmem:s25+$0x140] =	vst v16;
	v8 =	vmul.f32 $1.000000000e+01, v11;
	v11 =	vsel vm1, $0xC1200000, v1;
	v10 =	vadd.f32 v10, v17  }
0xb6: {  	vm2 =	vlt.f32 v30, $0.0e+00;
	[tilespmem:s26+$0x10] =	vst v13;
	v2 =	vmul.f32 v5, v2;
	v4 =	vadd.f32 v4, v11  }
0xb7: {  	vm1 =	vmor vm5, vm2;
	v6 =	vmul.f32 v8, v14;
	[tilespmem:s26+$0xFFFFFED0] =	vst v10;
	v9 =	vmul.f32 v8, v9  }
0xb8: {  	v11 =	vsel vm1, $0xC1200000, v1;
	v2 =	vadd.f32 v2, v28;
	[tilespmem:s26+$0x150] =	vst v4  }
0xb9: {  	v3 =	vmul.f32 v8, v3;
	v4 =	vadd.f32 v6, v11;
	[tilespmem:s26+$0x0] =	vst v9  }
0xba: {  	v6 =	vmul.f32 v5, v7;
	v7 =	vsel vm0, $0xC1200000, v1;
	v5 =	vmul.f32 v5, v12;
	[tilespmem:s26+$0x130] =	vst v2  }
0xbb: {  	v3 =	vadd.f32 v3, v7;
	[tilespmem:s26+$0xFFFFFEC0] =	vst v4  }
0xbc: {  	[tilespmem:s26+$0xFFFFFFF0] =	vst v6;
	v4 =	vadd.f32 v5, v29  }
0xbd: {  	[tilespmem:s26+$0x140] =	vst v3  }
0xbe: {  	[tilespmem:s26+$0xFFFFFEB0] =	vst v4  }
0xbf: {  	[hbm4b:s7+s13] =	stream.strided.scatter [tilespmem:s19], [sflag:$0x5], $0x3C0, s14, s13, $0x38;
	[tilespmem:$0x3700] =	vst v63  }
0xc0: {  	_ =	swait.ge [sflag:s20], $0x3C0  }
0xc1: {  	[sflag:s20] =	ssyncset.done $0x0  }
0xc2: {  	[sflag:s20] =	ssyncadd.s32 $0xFFFFFC40  }
0xc3: {  	_ =	swait.ge [sflag:s21], $0x3C0  }
0xc4: {  	[sflag:s21] =	ssyncset.done $0x0  }
0xc5: {  	[sflag:s21] =	ssyncadd.s32 $0xFFFFFC40  }
0xc6: {  	_ =	swait.ge [sflag:s22], $0x1400  }
0xc7: {  	[sflag:s22] =	ssyncset.done $0x0  }
0xc8: {  	s1 =	simm.s32 $0x2D20;
	s31 =	simm.s32 $0x10;
	[sflag:s22] =	ssyncadd.s32 $0xFFFFEC00  }
0xc9: {  	v2 =	vmov s31;
	v9 =	vld [tilespmem:s1+$0xFFFFFEA0]  }
0xca: {  	v2 =	vshll.u32 v2, $0x4;
	v17 =	vld [tilespmem:s1+$0x150]  }
0xcb: {  	v2 =	vor.u32 v0, v2;
	s26 =	simm.s32 $0x30;
	v22 =	vld [tilespmem:s1+$0x130]  }
0xcc: {  	v3 =	vor.u32 $0xF, v2;
	v4 =	vmov s26;
	v12 =	vld [tilespmem:s1+$0x120]  }
0xcd: {  	v4 =	vshll.u32 v4, $0x4;
	v19 =	vld [tilespmem:s1+$0x140]  }
0xce: {  	v4 =	vor.u32 v0, v4;
	v11 =	vld [tilespmem:s1+$0xFFFFFFE0]  }
0xcf: {  	v5 =	vor.u32 $0xD, v4;
	v18 =	vld [tilespmem:s1+$0xFFFFFED0]  }
0xd0: {  	v20 =	vld [tilespmem:s1+$0xFFFFFFF0]  }
0xd1: {  	v2 =	vor.u32 $0xD, v2;
	v3 =	vld.idx.msk [tilespmem:v3+s12+$0x0], $0xffff  }
0xd2: {  	v24 =	vld [tilespmem:s1+$0x10]  }
0xd3: {  	v4 =	vor.u32 $0xF, v4;
	v26 =	vld [tilespmem:s1+$0xFFFFFEC0]  }
0xd4: {  	s31 =	simm.s32 $0x20;
	v5 =	vld.idx.msk [tilespmem:v5+s12+$0x0], $0xffff;
	v7 =	vmul.f32 v9, v9  }
0xd5: {  	v6 =	vmov s31;
	v25 =	vld [tilespmem:s1+$0xFFFFFEB0];
	v8 =	vmul.f32 v11, v11;
	v13 =	vmul.f32 v17, v17  }
0xd6: {  	v6 =	vshll.u32 v6, $0x4;
	v2 =	vld.idx.msk [tilespmem:v2+s12+$0x0], $0xffff;
	v14 =	vmul.f32 v19, v19;
	v15 =	vmul.f32 v22, v22  }
0xd7: {  	v10 =	vor.u32 v0, v6;
	v23 =	vld [tilespmem:s1+$0x0];
	v16 =	vmul.f32 v20, v20;
	v21 =	vmul.f32 v18, v18  }
0xd8: {  	v4 =	vld.idx.msk [tilespmem:v4+s12+$0x0], $0xffff;
	vm1 =	vgt.f32 v3, $0.0e+00;
	v27 =	vmul.f32 v24, v24;
	v28 =	vmul.f32 v26, v26  }
0xd9: {  	vm2 =	vlt.f32 v3, $0.0e+00;
	vm0 =	vlt.f32 v5, $0.0e+00;
	vm3 =	vgt.f32 v5, $0.0e+00  }
0xda: {  	v6 =	vadd.f32 v8, v7;
	v7 =	vmul.f32 v12, v12;
	v8 =	vor.u32 $0xF, v10  }
0xdb: {  	vm12 =	vlt.f32 v2, $0.0e+00;
	v5 =	vmul.f32 v25, v25;
	vm3 =	vmor vm3, vm0  }
0xdc: {  	v10 =	vor.u32 $0xD, v10;
	v6 =	vadd.f32 v7, v6;
	v7 =	vmul.f32 v23, v23  }
0xdd: {  	s25 =	simm.s32 $0x0;
	vm1 =	vmor vm1, vm2;
	vm2 =	vgt.f32 v4, $0.0e+00;
	v5 =	vadd.f32 v16, v5  }
0xde: {  	v16 =	vmov s25;
	v6 =	vmax.f32 v6, $1.000000020e-24;
	v7 =	vadd.f32 v7, v28  }
0xdf: {  	v3 =	vshrl.u32 v6, $0x1;
	v30 =	vmul.f32 $5.000000000e-01, v6;
	v8 =	vld.idx.msk [tilespmem:v8+s12+$0x0], $0xffff;
	v6 =	vadd.f32 v27, v21  }
0xe0: {  	v29 =	vsel vm3, $0xC1200000, v1;
	v15 =	vadd.f32 v15, v5;
	v7 =	vadd.f32 v14, v7  }
0xe1: {  	v5 =	vsel vm1, $0xC1200000, v1;
	v58 =	vld.idx.msk [tilespmem:v10+s12+$0x0], $0xffff;
	v3 =	vsub.s32 $0x5F3759DF, v3;
	v6 =	vadd.f32 v13, v6  }
0xe2: {  	vm1 =	vgt.f32 v2, $0.0e+00;
	v13 =	vmul.f32 v3, v30;
	v7 =	vmax.f32 v7, $1.000000020e-24  }
0xe3: {  	vm1 =	vmor vm1, vm12;
	v6 =	vmax.f32 v6, $1.000000020e-24;
	v14 =	vshrl.u32 v7, $0x1  }
0xe4: {  	v13 =	vmul.f32 v3, v13;
	v33 =	vmul.f32 $5.000000000e-01, v7;
	vm0 =	vgt.f32 v8, $0.0e+00  }
0xe5: {  	v21 =	vmul.f32 $5.000000000e-01, v6;
	v27 =	vsub.s32 $0x5F3759DF, v14;
	v14 =	vshll.u32 v16, $0x4  }
0xe6: {  	v6 =	vshrl.u32 v6, $0x1;
	vm3 =	vgt.f32 v58, $0.0e+00;
	vm13 =	vlt.f32 v58, $0.0e+00  }
0xe7: {  	v14 =	vor.u32 v0, v14;
	v28 =	vsub.s32 $0x5F3759DF, v6;
	v6 =	vmax.f32 v15, $1.000000020e-24  }
0xe8: {  	v13 =	vsub.f32 $1.500000000e+00, v13;
	vm14 =	vmor vm3, vm13;
	v16 =	vor.u32 $0xF, v14  }
0xe9: {  	v2 =	vshrl.u32 v6, $0x1;
	v15 =	vmul.f32 $5.000000000e-01, v6;
	v56 =	vmul.f32 v28, v21  }
0xea: {  	v6 =	vsel vm1, $0xC1200000, v1;
	vm1 =	vlt.f32 v4, $0.0e+00;
	v2 =	vsub.s32 $0x5F3759DF, v2  }
0xeb: {  	s25 =	simm.s32 $0x2D60;
	v3 =	vmul.f32 v3, v13;
	vm2 =	vmor vm2, vm1;
	vm1 =	vlt.f32 v8, $0.0e+00  }
0xec: {  	s26 =	simm.s32 $0x50;
	v14 =	vor.u32 $0xD, v14;
	v8 =	vld [tilespmem:s25+$0xFFFFFEA0];
	v31 =	vmul.f32 v2, v15;
	vm1 =	vmor vm0, vm1  }
0xed: {  	v32 =	vmul.f32 v28, v56;
	v13 =	vmul.f32 v3, v30;
	v30 =	vmov s26  }
0xee: {  	s31 =	simm.s32 $0x70;
	v4 =	vmul.f32 v2, v31;
	v31 =	vsel vm2, $0xC1200000, v1;
	v10 =	vshll.u32 v30, $0x4  }
0xef: {  	v30 =	vmov s31;
	v32 =	vsub.f32 $1.500000000e+00, v32;
	v13 =	vmul.f32 v13, v3  }
0xf0: {  	v7 =	vld.idx.msk [tilespmem:v16+s12+$0x0], $0xffff;
	v10 =	vor.u32 v0, v10;
	v16 =	vsub.f32 $1.500000000e+00, v4;
	v4 =	vmul.f32 v27, v33  }
0xf1: {  	v14 =	vld.idx.msk [tilespmem:v14+s12+$0x0], $0xffff;
	v59 =	vmul.f32 v8, v8;
	v60 =	vor.u32 $0xD, v10;
	v39 =	vor.u32 $0xF, v10  }
0xf2: {  	v10 =	vshll.u32 v30, $0x4;
	v28 =	vmul.f32 v28, v32;
	v13 =	vsub.f32 $1.500000000e+00, v13  }
0xf3: {  	v57 =	vmul.f32 v27, v4;
	v4 =	vld [tilespmem:s25+$0x150];
	v36 =	vmul.f32 v2, v16;
	v16 =	vor.u32 v0, v10  }
0xf4: {  	v2 =	vld [tilespmem:s25+$0x130];
	v21 =	vmul.f32 v28, v21;
	v13 =	vmul.f32 v13, v3;
	v30 =	vor.u32 $0xD, v16  }
0xf5: {  	v10 =	vld [tilespmem:s25+$0x120];
	v40 =	vor.u32 $0xF, v16;
	v16 =	vsel vm1, $0xC1200000, v1;
	vm0 =	vlt.f32 v7, $0.0e+00  }
0xf6: {  	v3 =	vld [tilespmem:s25+$0x140];
	vm2 =	vgt.f32 v7, $0.0e+00;
	v7 =	vmul.f32 v36, v15;
	vm1 =	vlt.f32 v14, $0.0e+00  }
0xf7: {  	s26 =	simm.s32 $0x60;
	v15 =	vld [tilespmem:s25+$0xFFFFFFE0];
	v34 =	vsub.f32 $1.500000000e+00, v57;
	v21 =	vmul.f32 v21, v28;
	v41 =	vmul.f32 $1.000000000e+01, v13  }
0xf8: {  	vm0 =	vmor vm2, vm0;
	v13 =	vmov s26;
	vm2 =	vgt.f32 v14, $0.0e+00;
	v61 =	vld.idx.msk [tilespmem:v39+s12+$0x0], $0xffff  }
0xf9: {  	v38 =	vld.idx.msk [tilespmem:v60+s12+$0x0], $0xffff;
	v42 =	vmul.f32 v7, v36;
	v13 =	vshll.u32 v13, $0x4;
	vm1 =	vmor vm2, vm1  }
0xfa: {  	v7 =	vld [tilespmem:s25+$0xFFFFFFF0];
	v21 =	vsub.f32 $1.500000000e+00, v21;
	v34 =	vmul.f32 v27, v34;
	v43 =	vmul.f32 v4, v4  }
0xfb: {  	v55 =	vsel vm0, $0xC1200000, v1;
	v44 =	vmul.f32 v41, v11;
	v11 =	vld [tilespmem:s25+$0xFFFFFED0];
	v45 =	vmul.f32 v41, v9  }
0xfc: {  	v9 =	vld [tilespmem:s25+$0x0];
	v39 =	vmul.f32 v2, v2;
	v47 =	vor.u32 v0, v13;
	v41 =	vmul.f32 v41, v12  }
0xfd: {  	v13 =	vld [tilespmem:s25+$0x10];
	v46 =	vmul.f32 v3, v3;
	v48 =	vor.u32 $0xF, v47;
	v33 =	vmul.f32 v34, v33  }
0xfe: {  	v30 =	vld.idx.msk [tilespmem:v30+s12+$0x0], $0xffff;
	v21 =	vmul.f32 v21, v28;
	v60 =	vsub.f32 $1.500000000e+00, v42;
	v14 =	vmul.f32 v15, v15  }
0xff: {  	v41 =	vadd.f32 v41, v55;
	vm3 =	vgt.f32 v61, $0.0e+00;
	v54 =	vmul.f32 v33, v34  }
0x100: {  	v62 =	vmul.f32 v7, v7;
	v12 =	vadd.f32 v14, v59;
	v14 =	vmul.f32 v10, v10  }
0x101: {  	vm15 =	vlt.f32 v61, $0.0e+00;
	v59 =	vmul.f32 $1.000000000e+01, v21;
	v63 =	vmul.f32 v9, v9  }
0x102: {  	vm3 =	vmor vm3, vm15;
	v50 =	vmul.f32 v11, v11;
	v51 =	vmul.f32 v13, v13  }
0x103: {  	v55 =	vld.idx.msk [tilespmem:v40+s12+$0x0], $0xffff;
	v49 =	vadd.f32 v14, v12;
	vm0 =	vlt.f32 v30, $0.0e+00;
	vm2 =	vgt.f32 v30, $0.0e+00  }
0x104: {  	v30 =	vsel vm1, $0xC1200000, v1;
	vm1 =	vlt.f32 v38, $0.0e+00;
	v61 =	vmul.f32 v59, v18  }
0x105: {  	v14 =	vld [tilespmem:s25+$0xFFFFFEC0];
	v17 =	vmul.f32 v59, v17;
	v57 =	vadd.f32 v51, v50;
	v50 =	vsel vm14, $0xC1200000, v1  }
0x106: {  	v12 =	vld [tilespmem:s25+$0xFFFFFEB0];
	vm2 =	vmor vm2, vm0;
	v45 =	vadd.f32 v45, v30;
	v30 =	vmul.f32 v60, v36  }
0x107: {  	v48 =	vld.idx.msk [tilespmem:v48+s12+$0x0], $0xffff;
	v49 =	vmax.f32 v49, $1.000000020e-24;
	v60 =	vadd.f32 v17, v31;
	v17 =	vsel vm2, $0xC1200000, v1  }
0x108: {  	vm2 =	vgt.f32 v55, $0.0e+00;
	v31 =	vor.u32 $0xD, v47;
	v56 =	vshrl.u32 v49, $0x1  }
0x109: {  	v49 =	vmul.f32 $5.000000000e-01, v49;
	v32 =	vadd.f32 v43, v57;
	v52 =	vsub.s32 $0x5F3759DF, v56  }
0x10a: {  	v56 =	vmul.f32 $1.000000000e+01, v30;
	v30 =	vsub.f32 $1.500000000e+00, v54;
	v27 =	vmul.f32 v14, v14  }
0x10b: {  	v58 =	vmul.f32 v12, v12;
	v28 =	vmul.f32 v52, v49;
	v32 =	vmax.f32 v32, $1.000000020e-24  }
0x10c: {  	vm0 =	vgt.f32 v48, $0.0e+00;
	v21 =	vmul.f32 $5.000000000e-01, v32;
	v34 =	vmul.f32 v30, v34  }
0x10d: {  	s31 =	simm.s32 $0x40;
	v20 =	vmul.f32 v56, v20;
	v27 =	vadd.f32 v63, v27;
	v35 =	vadd.f32 v62, v58  }
0x10e: {  	v62 =	vmul.f32 v59, v24;
	v63 =	vmul.f32 v52, v28;
	v24 =	vmov s31  }
0x10f: {  	v28 =	vsel vm3, $0xC1200000, v1;
	vm3 =	vgt.f32 v38, $0.0e+00;
	v59 =	vadd.f32 v61, v29  }
0x110: {  	v24 =	vshll.u32 v24, $0x4;
	vm1 =	vmor vm3, vm1;
	v34 =	vmul.f32 $1.000000000e+01, v34  }
0x111: {  	v27 =	vadd.f32 v46, v27;
	v53 =	vor.u32 v0, v24;
	v24 =	vadd.f32 v39, v35  }
0x112: {  	v29 =	vsel vm1, $0xC1200000, v1;
	vm1 =	vlt.f32 v55, $0.0e+00;
	v35 =	vmul.f32 v56, v22  }
0x113: {  	s25 =	simm.s32 $0x34A0;
	v61 =	vsub.f32 $1.500000000e+00, v63;
	v57 =	vor.u32 $0xF, v53;
	v26 =	vmul.f32 v34, v26  }
0x114: {  	[tilespmem:s25+$0x10] =	vst v62;
	vm1 =	vmor vm2, vm1;
	v62 =	vmul.f32 v34, v23;
	v24 =	vmax.f32 v24, $1.000000020e-24  }
0x115: {  	[tilespmem:s25+$0xFFFFFFE0] =	vst v44;
	v23 =	vmul.f32 v56, v25;
	v58 =	vshrl.u32 v24, $0x1;
	v30 =	vmul.f32 $5.000000000e-01, v24  }
0x116: {  	[tilespmem:s25+$0x120] =	vst v41;
	vm2 =	vlt.f32 v48, $0.0e+00;
	v37 =	vmul.f32 v34, v19;
	v33 =	vsub.s32 $0x5F3759DF, v58  }
0x117: {  	[tilespmem:s25+$0xFFFFFEA0] =	vst v45;
	v42 =	vmax.f32 v27, $1.000000020e-24;
	v27 =	vshrl.u32 v32, $0x1;
	v22 =	vmul.f32 v33, v30  }
0x118: {  	[tilespmem:s25+$0x150] =	vst v60;
	v25 =	vmul.f32 v52, v61;
	vm0 =	vmor vm0, vm2;
	v18 =	vshrl.u32 v42, $0x1  }
0x119: {  	[tilespmem:s25+$0xFFFFFED0] =	vst v59;
	v27 =	vsub.s32 $0x5F3759DF, v27;
	v63 =	vadd.f32 v26, v50;
	v34 =	vld.idx.msk [tilespmem:v57+s12+$0x0], $0xffff;
	v22 =	vmul.f32 v33, v22  }
0x11a: {  	s28 =	simm.s32 $0x80;
	v24 =	vmul.f32 $5.000000000e-01, v42;
	[tilespmem:s25+$0x0] =	vst v62;
	v26 =	vor.u32 $0xD, v53;
	v18 =	vsub.s32 $0x5F3759DF, v18  }
0x11b: {  	s29 =	simm.s32 $0x34E0;
	s30 =	simm.s32 $0x2DA0;
	s26 =	simm.s32 $0x34E0;
	v32 =	vmul.f32 v27, v21;
	v38 =	vmul.f32 v25, v49;
	[tilespmem:s25+$0xFFFFFEC0] =	vst v63;
	v36 =	vsub.f32 $1.500000000e+00, v22  }
.LBB2_4:
0x11c: {  	p0 =	slt.u32 s28, $0x100  }
0x11d: {  	v39 =	vld [tilespmem:s30+$0xFFFFFEA0];
	v22 =	vmul.f32 v18, v24;
	v19 =	vsel vm1, $0xC1200000, v1;
	s29 =	sadd.s32 $0x40, s29;
	v35 =	vadd.f32 v35, v5;
	v5 =	vmovc v28;
	s31 =	smov.u32 s28;
	s28 =	sadd.s32 $0x40, s28  }
0x11e: {  	vm1 =	vlt.f32 v34, $0.0e+00;
	v16 =	vadd.f32 v37, v16;
	s1 =	sadd.s32 $0x10, s31;
	v38 =	vmul.f32 v38, v25;
	v40 =	vld.idx.msk [tilespmem:v31+s12+$0x0], $0xffff;
	[tilespmem:s25+$0xFFFFFFF0] =	vst v20  }
0x11f: {  	v20 =	vmov s1;
	v28 =	vld [tilespmem:s30+$0x150];
	s1 =	sadd.s32 $0x30, s31;
	v37 =	vmul.f32 v18, v22;
	v22 =	vadd.f32 v23, v6;
	[tilespmem:s25+$0x130] =	vst v35;
	v6 =	vmovc v29  }
0x120: {  	v32 =	vmul.f32 v27, v32;
	v23 =	vld [tilespmem:s30+$0x130];
	v20 =	vshll.u32 v20, $0x4;
	v31 =	vmov s1;
	[tilespmem:s25+$0x140] =	vst v16  }
0x121: {  	v29 =	vmul.f32 v33, v36;
	v38 =	vsub.f32 $1.500000000e+00, v38;
	v35 =	vld [tilespmem:s30+$0x120];
	v16 =	vor.u32 v0, v20;
	[tilespmem:s25+$0xFFFFFEB0] =	vst v22;
	s25 =	smov.u32 s26;
	s26 =	smov.u32 s29  }
0x122: {  	v32 =	vsub.f32 $1.500000000e+00, v32;
	v33 =	vmul.f32 v39, v39;
	v36 =	vor.u32 $0xD, v16;
	v41 =	vld.idx.msk [tilespmem:v26+s12+$0x0], $0xffff  }
0x123: {  	v42 =	vor.u32 $0xF, v16;
	v16 =	vshll.u32 v31, $0x4;
	v25 =	vmul.f32 v38, v25;
	v20 =	vld [tilespmem:s30+$0x140]  }
0x124: {  	vm2 =	vgt.f32 v34, $0.0e+00;
	v26 =	vmul.f32 v29, v30;
	v16 =	vor.u32 v0, v16;
	v38 =	vld [tilespmem:s30+$0xFFFFFED0]  }
0x125: {  	v30 =	vor.u32 $0xD, v16;
	v34 =	vor.u32 $0xF, v16;
	v43 =	vmul.f32 $1.000000000e+01, v25;
	v22 =	vld [tilespmem:s30+$0xFFFFFFF0]  }
0x126: {  	vm1 =	vmor vm2, vm1;
	s1 =	sadd.s32 $0x20, s31;
	v45 =	vmul.f32 v26, v29;
	v16 =	vsel vm0, $0xC1200000, v1;
	v44 =	vld [tilespmem:s30+$0xFFFFFFE0]  }
0x127: {  	v31 =	vmov s1;
	v46 =	vmul.f32 v28, v28;
	v15 =	vmul.f32 v43, v15;
	v25 =	vld [tilespmem:s30+$0xFFFFFEB0]  }
0x128: {  	v31 =	vshll.u32 v31, $0x4;
	v47 =	vmul.f32 v43, v8;
	v8 =	vmovc v39;
	vm2 =	vlt.f32 v41, $0.0e+00;
	v26 =	vld [tilespmem:s30+$0x0]  }
0x129: {  	v27 =	vmul.f32 v27, v32;
	vm4 =	vgt.f32 v41, $0.0e+00;
	v39 =	vld.idx.msk [tilespmem:v42+s12+$0x0], $0xffff;
	v42 =	vmul.f32 v20, v20;
	[tilespmem:s25+$0xFFFFFFE0] =	vst v15  }
0x12a: {  	v31 =	vor.u32 v0, v31;
	vm0 =	vgt.f32 v40, $0.0e+00;
	v32 =	vmul.f32 v23, v23;
	v41 =	vld [tilespmem:s30+$0x10]  }
0x12b: {  	vm3 =	vlt.f32 v40, $0.0e+00;
	v21 =	vmul.f32 v27, v21;
	v48 =	vmul.f32 v44, v44;
	v15 =	vmovc v44  }
0x12c: {  	vm0 =	vmor vm0, vm3;
	v43 =	vmul.f32 v43, v10;
	v10 =	vmovc v35;
	v40 =	vmul.f32 v22, v22;
	v36 =	vld.idx.msk [tilespmem:v36+s12+$0x0], $0xffff  }
0x12d: {  	v37 =	vsub.f32 $1.500000000e+00, v37;
	v35 =	vmul.f32 v35, v10;
	v33 =	vadd.f32 v48, v33;
	v30 =	vld.idx.msk [tilespmem:v30+s12+$0x0], $0xffff  }
0x12e: {  	v21 =	vmul.f32 v21, v27;
	v44 =	vmul.f32 v26, v26;
	v48 =	vor.u32 $0xF, v31  }
0x12f: {  	vm3 =	vgt.f32 v39, $0.0e+00;
	v33 =	vadd.f32 v35, v33;
	v49 =	vld [tilespmem:s30+$0xFFFFFEC0];
	v35 =	vmul.f32 v38, v38  }
0x130: {  	v21 =	vsub.f32 $1.500000000e+00, v21;
	vm2 =	vmor vm4, vm2;
	v50 =	vmul.f32 v41, v41  }
0x131: {  	vm4 =	vlt.f32 v39, $0.0e+00;
	v39 =	vsel vm1, $0xC1200000, v1;
	v33 =	vmax.f32 v33, $1.000000020e-24  }
0x132: {  	v51 =	vshrl.u32 v33, $0x1;
	v52 =	vmul.f32 $5.000000000e-01, v33;
	v33 =	vadd.f32 v43, v39  }
0x133: {  	vm5 =	vlt.f32 v30, $0.0e+00;
	vm6 =	vgt.f32 v30, $0.0e+00;
	v30 =	vsel vm2, $0xC1200000, v1;
	v39 =	vld.idx.msk [tilespmem:v48+s12+$0x0], $0xffff  }
0x134: {  	vm1 =	vlt.f32 v36, $0.0e+00;
	v43 =	vmul.f32 v49, v49;
	[tilespmem:s25+$0x120] =	vst v33;
	v33 =	vmul.f32 v18, v37  }
0x135: {  	v48 =	vsel vm0, $0xC1200000, v1;
	v37 =	vsub.s32 $0x5F3759DF, v51;
	v18 =	vadd.f32 v50, v35  }
0x136: {  	v21 =	vmul.f32 v21, v27;
	v35 =	vmul.f32 v25, v25;
	v43 =	vadd.f32 v44, v43  }
0x137: {  	v27 =	vmul.f32 v37, v52;
	v18 =	vadd.f32 v46, v18;
	v24 =	vmul.f32 v33, v24  }
0x138: {  	vm2 =	vmor vm6, vm5;
	v42 =	vadd.f32 v42, v43;
	v43 =	vmul.f32 $1.000000000e+01, v21  }
0x139: {  	v35 =	vadd.f32 v40, v35;
	v44 =	vsub.f32 $1.500000000e+00, v45;
	v40 =	vmax.f32 v18, $1.000000020e-24  }
0x13a: {  	vm0 =	vgt.f32 v39, $0.0e+00;
	v42 =	vmax.f32 v42, $1.000000020e-24;
	v45 =	vmul.f32 v43, v11;
	v11 =	vmovc v38  }
0x13b: {  	v21 =	vmul.f32 $5.000000000e-01, v40;
	v38 =	vmul.f32 v43, v13;
	v13 =	vmovc v41;
	v18 =	vshrl.u32 v42, $0x1  }
0x13c: {  	vm3 =	vmor vm3, vm4;
	v41 =	vmul.f32 v43, v4;
	v4 =	vmovc v28;
	v18 =	vsub.s32 $0x5F3759DF, v18  }
0x13d: {  	v43 =	vmul.f32 v37, v27;
	v27 =	vmov s31;
	v28 =	vadd.f32 v47, v30;
	[tilespmem:s25+$0x10] =	vst v38  }
0x13e: {  	v29 =	vmul.f32 v44, v29;
	v30 =	vshrl.u32 v40, $0x1;
	v27 =	vshll.u32 v27, $0x4;
	v34 =	vld.idx.msk [tilespmem:v34+s12+$0x0], $0xffff  }
0x13f: {  	v32 =	vadd.f32 v32, v35;
	v24 =	vmul.f32 v24, v33;
	v38 =	vor.u32 v0, v27;
	[tilespmem:s25+$0xFFFFFEA0] =	vst v28  }
0x140: {  	v40 =	vmul.f32 $1.000000000e+01, v29;
	v27 =	vsub.s32 $0x5F3759DF, v30;
	v28 =	vsel vm3, $0xC1200000, v1  }
0x141: {  	v29 =	vmax.f32 v32, $1.000000020e-24;
	v24 =	vsub.f32 $1.500000000e+00, v24;
	v44 =	vor.u32 $0xF, v38  }
0x142: {  	v35 =	vshrl.u32 v29, $0x1;
	v17 =	vadd.f32 v45, v17;
	vm3 =	vgt.f32 v36, $0.0e+00  }
0x143: {  	v24 =	vmul.f32 v24, v33;
	v32 =	vmul.f32 v27, v21;
	vm1 =	vmor vm3, vm1  }
0x144: {  	v19 =	vadd.f32 v41, v19;
	v30 =	vmul.f32 $5.000000000e-01, v29;
	v29 =	vsel vm1, $0xC1200000, v1;
	[tilespmem:s25+$0xFFFFFED0] =	vst v17  }
0x145: {  	v33 =	vsub.s32 $0x5F3759DF, v35;
	v41 =	vmul.f32 $1.000000000e+01, v24;
	vm1 =	vlt.f32 v34, $0.0e+00  }
0x146: {  	v35 =	vmul.f32 v40, v2;
	v2 =	vmovc v23;
	v24 =	vmul.f32 $5.000000000e-01, v42;
	v17 =	vsel vm2, $0xC1200000, v1;
	[tilespmem:s25+$0x150] =	vst v19  }
0x147: {  	v36 =	vmul.f32 v41, v14;
	v14 =	vmovc v49;
	vm2 =	vgt.f32 v34, $0.0e+00;
	v19 =	vmul.f32 v33, v30  }
.Ltmp1:
0x148: {  	v42 =	vsub.f32 $1.500000000e+00, v43;
	v43 =	vmul.f32 v41, v9;
	v9 =	vmovc v26;
	vm1 =	vmor vm2, vm1;
	v34 =	vld.idx.msk [tilespmem:v44+s12+$0x0], $0xffff;
	(pc) =	sbr.rel @p0 .LBB2_4-.Ltmp1, $4  }
0x149: {  	v31 =	vor.u32 $0xD, v31;
	v23 =	vmul.f32 v40, v12;
	v12 =	vmovc v25;
	v19 =	vmul.f32 v33, v19  }
0x14a: {  	v25 =	vmul.f32 v37, v42;
	vm2 =	vlt.f32 v39, $0.0e+00;
	v39 =	vadd.f32 v36, v48;
	[tilespmem:s25+$0x0] =	vst v43  }
0x14b: {  	v26 =	vor.u32 $0xD, v38;
	v37 =	vmul.f32 v41, v3;
	v3 =	vmovc v20;
	v36 =	vsub.f32 $1.500000000e+00, v19  }
0x14c: {  	s30 =	sadd.s32 $0x40, s30;
	v20 =	vmul.f32 v40, v7;
	v7 =	vmovc v22;
	v38 =	vmul.f32 v25, v52;
	vm0 =	vmor vm0, vm2;
	[tilespmem:s25+$0xFFFFFEC0] =	vst v39  }
0x14d: {  	_ = 	snop  }
0x14e: {  	v19 =	vmul.f32 v27, v32  }
0x14f: {  	v22 =	vmul.f32 v18, v24;
	v39 =	vmul.f32 v33, v36  }
0x150: {  	v5 =	vadd.f32 v35, v5;
	vm2 =	vlt.f32 v34, $0.0e+00;
	v63 =	vmul.f32 v38, v25  }
0x151: {  	v26 =	vld.idx.msk [tilespmem:v26+s12+$0x0], $0xffff;
	v16 =	vadd.f32 v37, v16;
	v19 =	vsub.f32 $1.500000000e+00, v19;
	v22 =	vmul.f32 v18, v22  }
0x152: {  	v6 =	vadd.f32 v23, v6;
	v41 =	vmul.f32 v39, v30;
	v38 =	vsub.f32 $1.500000000e+00, v63  }
0x153: {  	vm3 =	vgt.f32 v34, $0.0e+00;
	v19 =	vmul.f32 v27, v19;
	v22 =	vsub.f32 $1.500000000e+00, v22  }
0x154: {  	vm2 =	vmor vm3, vm2;
	v45 =	vmul.f32 v41, v39;
	v40 =	vmul.f32 v38, v25  }
0x155: {  	v48 =	vsel vm2, $0xC1200000, v1;
	v21 =	vmul.f32 v19, v21;
	v42 =	vmul.f32 v18, v22  }
0x156: {  	vm12 =	vlt.f32 v26, $0.0e+00;
	v51 =	vsub.f32 $1.500000000e+00, v45;
	v44 =	vmul.f32 $1.000000000e+01, v40  }
0x157: {  	vm4 =	vgt.f32 v26, $0.0e+00;
	v21 =	vmul.f32 v21, v19;
	v46 =	vmul.f32 v42, v24  }
0x158: {  	[tilespmem:s25+$0xFFFFFEB0] =	vst v6;
	vm3 =	vmor vm4, vm12;
	v6 =	vmul.f32 v51, v39;
	v15 =	vmul.f32 v44, v15  }
0x159: {  	[tilespmem:s25+$0xFFFFFFF0] =	vst v20;
	v8 =	vmul.f32 v44, v8;
	v10 =	vmul.f32 v44, v10;
	v21 =	vsub.f32 $1.500000000e+00, v21  }
0x15a: {  	[tilespmem:s25+$0x130] =	vst v5;
	v53 =	vsel vm3, $0xC1200000, v1;
	v47 =	vmul.f32 v46, v42;
	v57 =	vmul.f32 $1.000000000e+01, v6  }
0x15b: {  	[tilespmem:s25+$0x140] =	vst v16;
	v10 =	vadd.f32 v10, v48;
	v54 =	vadd.f32 v8, v53;
	v19 =	vmul.f32 v21, v19  }
0x15c: {  	v43 =	vld.idx.msk [tilespmem:v31+s12+$0x0], $0xffff;
	[tilespmem:s26+$0xFFFFFFE0] =	vst v15;
	v50 =	vsub.f32 $1.500000000e+00, v47;
	v2 =	vmul.f32 v57, v2;
	v61 =	vmul.f32 v57, v7  }
0x15d: {  	v5 =	vmul.f32 v57, v12;
	[tilespmem:s26+$0x120] =	vst v10;
	v49 =	vmul.f32 $1.000000000e+01, v19  }
0x15e: {  	[tilespmem:s26+$0xFFFFFEA0] =	vst v54;
	v52 =	vmul.f32 v50, v42;
	v2 =	vadd.f32 v2, v28  }
0x15f: {  	[tilespmem:s26+$0xFFFFFFF0] =	vst v61;
	v63 =	vadd.f32 v5, v29;
	v11 =	vmul.f32 v49, v11;
	v13 =	vmul.f32 v49, v13  }
0x160: {  	v56 =	vsel vm1, $0xC1200000, v1;
	v4 =	vmul.f32 v49, v4;
	v55 =	vmul.f32 $1.000000000e+01, v52;
	[tilespmem:s26+$0x130] =	vst v2  }
0x161: {  	vm13 =	vgt.f32 v43, $0.0e+00;
	vm14 =	vlt.f32 v43, $0.0e+00;
	[tilespmem:s26+$0xFFFFFEB0] =	vst v63;
	v11 =	vadd.f32 v11, v17  }
0x162: {  	vm15 =	vmor vm13, vm14;
	[tilespmem:s26+$0x10] =	vst v13;
	v4 =	vadd.f32 v4, v56;
	v58 =	vmul.f32 v55, v14  }
0x163: {  	v59 =	vsel vm15, $0xC1200000, v1;
	v9 =	vmul.f32 v55, v9;
	v3 =	vmul.f32 v55, v3;
	[tilespmem:s26+$0xFFFFFED0] =	vst v11  }
0x164: {  	v62 =	vsel vm0, $0xC1200000, v1;
	[tilespmem:s26+$0x150] =	vst v4;
	v60 =	vadd.f32 v58, v59  }
0x165: {  	s24 =	sadd.s32 $0x1, s24;
	[tilespmem:s26+$0x0] =	vst v9;
	v3 =	vadd.f32 v3, v62  }
0x166: {  	p0 =	sne.s32 s24, s9;
	[tilespmem:s26+$0xFFFFFEC0] =	vst v60  }
.Ltmp2:
0x167: {  	[tilespmem:s26+$0x140] =	vst v3;
	(pc) =	sbr.rel @p0 .LBB2_1-.Ltmp2, $4  }
0x168: {  	[hbm4b:s8+s13] =	stream.strided.scatter [tilespmem:s23], [sflag:$0x5], $0x3C0, s14, s13, $0x38;
	[tilespmem:$0x3700] =	vst v63  }
0x169: {  	_ =	swait.ge [sflag:s20], $0x3C0  }
0x16a: {  	[sflag:s20] =	ssyncset.done $0x0  }
0x16b: {  	[sflag:s20] =	ssyncadd.s32 $0xFFFFFC40  }
0x16c: {  	_ =	sfence.sel $0x180000  }
0x16d: {  	[bflag:$0x0] =	sbarrier.arrive $0xFFFF  }
0x16e: {  	_ =	strace $0x90000047  }
0x16f: {  	[bflag:$0x2] =	sbarrier.arrive $0xFFFF  }
0x170: {  	p0 =	sne.s32 s0, $0x0;
	s0 =	rddreg [dreg:$0x5]  }
0x171: {  	s0 =	sadd.s32 @!p0 $0x100000, s0  }
0x172: {  	[sflag:s0] =	ssyncadd.tile.s32 @!p0 $0x1;
	_ =	shalt  }
.Lfunc_end2:
_tile_overlayer_lowered:
.L_overlay_start_2:
0x173: {  	(tag) =	ssettag $0x2  }
0x174: {  	s0 =	rddreg [dreg:$0x0];
	s2 =	stileid.u32  }
0x175: {  	s1 =	rddreg [dreg:$0x1];
	p0 =	sne.s32 s2, $0x0  }
0x176: {  	s3 =	rddreg [dreg:$0x2];
	[bflag:$0x3] =	sbarrier.arrive $0xFFFF;
	s2 =	simm.s32 @!p0 $0x1C05  }
0x177: {  	[timem:s3], [sflag:s2] =	dma.local @!p0 [hbm:s0], s1  }
0x178: {  	s0 =	simm.s32 @!p0 $0x5  }
0x179: {  	_ =	swait.ge @!p0 [sflag:s0], s1  }
0x17a: {  	s1 =	ssub.s32 @!p0 $0x0, s1;
	[sflag:s0] =	ssyncset.done @!p0 $0x0  }
0x17b: {  	[sflag:s0] =	ssyncadd.s32 @!p0 s1  }
0x17c: {  	[bflag:$0x3] =	sbarrier.arrive $0xFFFF  }
0x17d: {  	_ =	shalt  }

</sc_bundles>
